<compile_context>
chip_gen: v7x
topology: tpu7x:2x2x1
jax: 0.10.2.dev20260603
libtpu: 0.0.44.dev20260713+nightly
codegen_flags: <defaults>
</compile_context>

<pallas_src>
import functools
import math

import jax
import jax.numpy as jnp
from jax import lax
from jax.experimental import pallas as pl
from jax.experimental.pallas import tpu as pltpu
from jax.experimental.pallas import tpu_sc as plsc

BETA = 3.0
LAMBDA_X = 1e-4
LAMBDA_Y = 1e-4
LAMBDA_Z = 1e-4
GAMMA = 1.0
ENT_W = 1e-3
EPS = 1e-9

NC = 2
NS = 16
LANES = 16
GRP = 128
SUP = 16
_RUN_EDGES = False
_RUN_STAGE = False
_ACC_SMALL = True
_ACC_MED_ROWS = 14336

_BCAST_DNUMS = lax.GatherDimensionNumbers(
    offset_dims=(), collapsed_slice_dims=(0,), start_index_map=(0,))


def _lane_bcast(vec, j):
    idx = jnp.full((LANES, 1), j, jnp.int32)
    return lax.gather(vec, idx, _BCAST_DNUMS, slice_sizes=(1,),
                      mode=lax.GatherScatterMode.PROMISE_IN_BOUNDS)


def _tc_pre(sx_logits, sy_logits, sz_logits, n, k, blk):
    nblk = n // blk

    def body(sx_ref, sy_ref, sz_ref, ox_ref, oy_ref, oz_ref, st_ref, acc_ref):
        step = pl.program_id(0)

        @pl.when(step == 0)
        def _():
            acc_ref[...] = jnp.zeros((8, k), jnp.float32)

        for (i_ref, o_ref, row) in ((sx_ref, ox_ref, 0), (sy_ref, oy_ref, 1),
                                    (sz_ref, oz_ref, 2)):
            x = i_ref[...]
            m = jnp.max(x, axis=1, keepdims=True)
            e = jnp.exp(x - m)
            s = jnp.sum(e, axis=1, keepdims=True)
            sm = e / s
            o_ref[...] = sm
            acc_ref[row:row + 1, :] += jnp.sum(sm, axis=0, keepdims=True)
            acc_ref[row + 3:row + 4, :] += jnp.sum(
                sm * jnp.log(sm + EPS), axis=0, keepdims=True)

        @pl.when(step == nblk - 1)
        def _():
            st_ref[...] = acc_ref[...]

    big = pl.BlockSpec((blk, k), lambda i: (i, 0))
    small = pl.BlockSpec((8, k), lambda i: (0, 0))
    return pl.pallas_call(
        body,
        grid=(nblk,),
        in_specs=[big, big, big],
        out_specs=[big, big, big, small],
        out_shape=[
            jax.ShapeDtypeStruct((n, k), jnp.float32),
            jax.ShapeDtypeStruct((n, k), jnp.float32),
            jax.ShapeDtypeStruct((n, k), jnp.float32),
            jax.ShapeDtypeStruct((8, k), jnp.float32),
        ],
        scratch_shapes=[pltpu.VMEM((8, k), jnp.float32)],
    )(sx_logits, sy_logits, sz_logits)


def _sc_aggregate(s_x, s_z, ixy, jxy, wxy, kyz, jyz, wyz, n, nsup):
    stripe = n // NS
    zchunk = 8
    nz = stripe // zchunk
    ng = nsup * SUP

    mesh = plsc.VectorSubcoreMesh(core_axis_name="c", subcore_axis_name="s",
                                  num_cores=NC, num_subcores=NS)

    def body(sx_ref, sz_ref, ixy_ref, jxy_ref, wxy_ref, kyz_ref, jyz_ref,
             wyz_ref, a_ref, c_ref, acc, tab, idx_src, idx_dst, wv, rows,
             zbuf, sem):
        cid = lax.axis_index("c")
        sid = lax.axis_index("s")

        def zb(i, _):
            zbuf[i] = jnp.zeros((LANES,), jnp.float32)
            return 0

        lax.fori_loop(0, zchunk, zb, 0)

        if _ACC_SMALL:
            mstripe = _ACC_MED_ROWS // NS

            def zc(i, _):
                pltpu.sync_copy(
                    zbuf, acc.at[pl.ds(sid * mstripe + i * zchunk, zchunk)])
                return 0

            lax.fori_loop(0, mstripe // zchunk, zc, 0)
        else:
            def zc(i, _):
                pltpu.sync_copy(
                    zbuf, acc.at[pl.ds(sid * stripe + i * zchunk, zchunk)])
                return 0

            lax.fori_loop(0, nz, zc, 0)

        sl = pl.ds(sid * stripe, stripe)

        if _RUN_STAGE:
            @pl.when(cid == 0)
            def _():
                pltpu.sync_copy(sx_ref.at[sl], tab.at[sl])

            @pl.when(cid == 1)
            def _():
                pltpu.sync_copy(sz_ref.at[sl], tab.at[sl])

        plsc.subcore_barrier()

        def run(src_ref, dst_ref, w_ref):
            def super_body(u, _):
                row0 = sid * ng + u * SUP
                pltpu.sync_copy(src_ref.at[pl.ds(row0, SUP)], idx_src)
                pltpu.sync_copy(dst_ref.at[pl.ds(row0, SUP)], idx_dst)
                pltpu.sync_copy(w_ref.at[pl.ds(row0 * GRP, SUP * GRP)], wv)

                def grp_body(g, _):
                    pltpu.async_copy(tab.at[idx_src.at[g]], rows,
                                     sem).wait()

                    def blk_body(b, _):
                        w16 = wv[pl.ds(g * GRP + b * LANES, LANES)]
                        for j in range(LANES):
                            e = b * LANES + j
                            rows[e] = rows[e] * _lane_bcast(w16, j)
                        return 0

                    lax.fori_loop(0, GRP // LANES, blk_body, 0)
                    pltpu.sync_copy(rows, acc.at[idx_dst.at[g]], add=True)
                    return 0

                lax.fori_loop(0, SUP, grp_body, 0)
                return 0

            lax.fori_loop(0, nsup, super_body, 0)

        if _RUN_EDGES:
            @pl.when(cid == 0)
            def _():
                run(ixy_ref, jxy_ref, wxy_ref)

            @pl.when(cid == 1)
            def _():
                run(kyz_ref, jyz_ref, wyz_ref)

        plsc.subcore_barrier()

        osl = (pl.ds(sid * (_ACC_MED_ROWS // NS), _ACC_MED_ROWS // NS)
               if _ACC_SMALL else sl)
        hsl = (pl.ds(sid * stripe, _ACC_MED_ROWS // NS)
               if _ACC_SMALL else sl)

        @pl.when(cid == 0)
        def _():
            pltpu.sync_copy(acc.at[osl], a_ref.at[hsl])

        @pl.when(cid == 1)
        def _():
            pltpu.sync_copy(acc.at[osl], c_ref.at[hsl])

    k = functools.partial(
        pl.kernel,
        out_type=[
            jax.ShapeDtypeStruct((n, LANES), jnp.float32),
            jax.ShapeDtypeStruct((n, LANES), jnp.float32),
        ],
        mesh=mesh,
        scratch_types=[
            pltpu.VMEM_SHARED((_ACC_MED_ROWS, LANES) if _ACC_SMALL
                              else (n, LANES), jnp.float32),
            pltpu.VMEM_SHARED((8, LANES), jnp.float32),
            pltpu.VMEM((SUP, GRP), jnp.int32),
            pltpu.VMEM((SUP, GRP), jnp.int32),
            pltpu.VMEM((SUP * GRP,), jnp.float32),
            pltpu.VMEM((GRP, LANES), jnp.float32),
            pltpu.VMEM((zchunk, LANES), jnp.float32),
            pltpu.SemaphoreType.DMA,
        ],
    )(body)
    return k(s_x, s_z, ixy, jxy, wxy, kyz, jyz, wyz)


def _tc_ep1(a, c, s_y, n, k, blk):
    nblk = n // blk

    def body(a_ref, c_ref, sy_ref, exy_ref, eyz_ref, mn_ref, exy_acc,
             eyz_acc, mn_acc):
        step = pl.program_id(0)

        @pl.when(step == 0)
        def _():
            exy_acc[...] = jnp.zeros((k, k), jnp.float32)
            eyz_acc[...] = jnp.zeros((k, k), jnp.float32)
            mn_acc[...] = jnp.zeros((1, 1), jnp.float32)

        a_blk = a_ref[...]
        c_blk = c_ref[...]
        sy = sy_ref[...]
        degx = jnp.sum(a_blk, axis=1, keepdims=True)
        degz = jnp.sum(c_blk, axis=1, keepdims=True)
        valid = (degx > 0.0) & (degz > 0.0)
        prod = degx * degz
        omega = jnp.where(valid, 1.0 / (prod + EPS), 0.0)
        mn_acc[...] += jnp.sum(jnp.where(valid, prod, 0.0), axis=0,
                               keepdims=True)
        ay = a_blk * omega
        cy = c_blk * omega
        exy_acc[...] += lax.dot_general(ay, sy, (((0,), (0,)), ((), ())),
                                        preferred_element_type=jnp.float32)
        eyz_acc[...] += lax.dot_general(sy, cy, (((0,), (0,)), ((), ())),
                                        preferred_element_type=jnp.float32)

        @pl.when(step == nblk - 1)
        def _():
            exy_ref[...] = exy_acc[...]
            eyz_ref[...] = eyz_acc[...]
            mn_ref[...] = mn_acc[...] + EPS

    big = pl.BlockSpec((blk, k), lambda i: (i, 0))
    kk = pl.BlockSpec((k, k), lambda i: (0, 0))
    one = pl.BlockSpec((1, 1), lambda i: (0, 0))
    return pl.pallas_call(
        body,
        grid=(nblk,),
        in_specs=[big, big, big],
        out_specs=[kk, kk, one],
        out_shape=[
            jax.ShapeDtypeStruct((k, k), jnp.float32),
            jax.ShapeDtypeStruct((k, k), jnp.float32),
            jax.ShapeDtypeStruct((1, 1), jnp.float32),
        ],
        scratch_shapes=[
            pltpu.VMEM((k, k), jnp.float32),
            pltpu.VMEM((k, k), jnp.float32),
            pltpu.VMEM((1, 1), jnp.float32),
        ],
    )(a, c, s_y)


def _tc_ep2(exy_raw, eyz_raw, mn, stats, a, c, s_y, n, k, blk):
    nblk = n // blk

    def body(exyr_ref, eyzr_ref, mn_ref, st_ref, a_ref, c_ref, sy_ref,
             loss_ref, q_ref, qobs_ref, qexp_ref, ax_ref, ay_ref, az_ref,
             exy_ref, eyz_ref, alpha_ref, gamma_ref, alpha_s, gamma_s,
             qobs_acc):
        step = pl.program_id(0)

        @pl.when(step == 0)
        def _():
            mnv = mn_ref[...]
            exy = exyr_ref[...] / mnv
            eyz = eyzr_ref[...] / mnv
            ea = jnp.exp(BETA * exy
                         - jnp.max(BETA * exy, axis=0, keepdims=True))
            alpha = ea / jnp.sum(ea, axis=0, keepdims=True)
            eg = jnp.exp(BETA * eyz
                         - jnp.max(BETA * eyz, axis=1, keepdims=True))
            gamma = eg / jnp.sum(eg, axis=1, keepdims=True)
            alpha_s[...] = alpha
            gamma_s[...] = gamma
            alpha_ref[...] = alpha
            gamma_ref[...] = gamma
            exy_ref[...] = exy
            eyz_ref[...] = eyz
            qobs_acc[...] = jnp.zeros((1, k), jnp.float32)

        mnv = mn_ref[...]
        a_blk = a_ref[...]
        c_blk = c_ref[...]
        sy = sy_ref[...]
        degx = jnp.sum(a_blk, axis=1, keepdims=True)
        degz = jnp.sum(c_blk, axis=1, keepdims=True)
        valid = (degx > 0.0) & (degz > 0.0)
        prod = degx * degz
        omega = jnp.where(valid, 1.0 / (prod + EPS), 0.0)
        ay = a_blk * omega
        cy = c_blk * omega
        left = lax.dot_general(ay, alpha_s[...], (((1,), (0,)), ((), ())),
                               preferred_element_type=jnp.float32)
        right = lax.dot_general(cy, gamma_s[...], (((1,), (1,)), ((), ())),
                                preferred_element_type=jnp.float32)
        qobs_acc[...] += jnp.sum(left * sy * right, axis=0, keepdims=True)

        @pl.when(step == nblk - 1)
        def _():
            exy = exyr_ref[...] / mnv
            eyz = eyzr_ref[...] / mnv
            ones = jnp.ones((1, k), jnp.float32)
            ax_row = lax.dot_general(ones, exy, (((1,), (1,)), ((), ())),
                                     preferred_element_type=jnp.float32)
            ay_row = jnp.sum(exy, axis=0, keepdims=True)
            az_row = jnp.sum(eyz, axis=0, keepdims=True)
            ax_ref[...] = ax_row
            ay_ref[...] = ay_row
            az_ref[...] = az_row
            terml = lax.dot_general(ax_row, alpha_s[...],
                                    (((1,), (0,)), ((), ())),
                                    preferred_element_type=jnp.float32)
            termr = lax.dot_general(az_row, gamma_s[...],
                                    (((1,), (1,)), ((), ())),
                                    preferred_element_type=jnp.float32)
            qexp = jnp.sum(terml * ay_row * termr, axis=1,
                           keepdims=True) / mnv
            qobs = jnp.sum(qobs_acc[...], axis=1, keepdims=True) / mnv
            q = qobs - GAMMA * qexp
            st = st_ref[...]
            scale = math.sqrt(float(k)) / float(n)
            regc = jnp.zeros((1, 1), jnp.float32)
            for row, lam in ((0, LAMBDA_X), (1, LAMBDA_Y), (2, LAMBDA_Z)):
                cs = st[row:row + 1, :]
                fro = jnp.sqrt(jnp.sum(cs * cs, axis=1, keepdims=True))
                regc = regc + lam * (scale * fro - 1.0)
            rege = ENT_W * jnp.sum(st[3:6, :], keepdims=True) / float(n)
            loss_ref[...] = -q + regc + rege
            q_ref[...] = q
            qobs_ref[...] = qobs
            qexp_ref[...] = qexp

    big = pl.BlockSpec((blk, k), lambda i: (i, 0))
    kk = pl.BlockSpec((k, k), lambda i: (0, 0))
    one = pl.BlockSpec((1, 1), lambda i: (0, 0))
    row = pl.BlockSpec((1, k), lambda i: (0, 0))
    st = pl.BlockSpec((8, k), lambda i: (0, 0))
    sds = jax.ShapeDtypeStruct
    return pl.pallas_call(
        body,
        grid=(nblk,),
        in_specs=[kk, kk, one, st, big, big, big],
        out_specs=[one, one, one, one, row, row, row, kk, kk, kk, kk],
        out_shape=[
            sds((1, 1), jnp.float32), sds((1, 1), jnp.float32),
            sds((1, 1), jnp.float32), sds((1, 1), jnp.float32),
            sds((1, k), jnp.float32), sds((1, k), jnp.float32),
            sds((1, k), jnp.float32),
            sds((k, k), jnp.float32), sds((k, k), jnp.float32),
            sds((k, k), jnp.float32), sds((k, k), jnp.float32),
        ],
        scratch_shapes=[
            pltpu.VMEM((k, k), jnp.float32),
            pltpu.VMEM((k, k), jnp.float32),
            pltpu.VMEM((1, k), jnp.float32),
        ],
    )(exy_raw, eyz_raw, mn, stats, a, c, s_y)


def kernel(Sx_logits, Sy_logits, Sz_logits, edge_index_XY, edge_weight_XY,
           edge_index_YZ, edge_weight_YZ):
    n, k = Sy_logits.shape
    e_xy = edge_weight_XY.shape[0]
    e_yz = edge_weight_YZ.shape[0]

    s_x, s_y, s_z, stats = _tc_pre(Sx_logits, Sy_logits, Sz_logits, n, k,
                                   blk=2000)

    def prep(idx, w, e):
        per = NS * SUP * GRP
        nsup = -(-e // per)
        e_pad = nsup * per
        i0 = jnp.pad(idx[0].astype(jnp.int32), (0, e_pad - e))
        i1 = jnp.pad(idx[1].astype(jnp.int32), (0, e_pad - e))
        wp = jnp.pad(w, (0, e_pad - e))
        rows = e_pad // GRP
        return (i0.reshape(rows, GRP), i1.reshape(rows, GRP), wp, nsup)

    ixy, jxy, wxy, nsup_xy = prep(edge_index_XY, edge_weight_XY, e_xy)
    jyz, kyz, wyz, nsup_yz = prep(edge_index_YZ, edge_weight_YZ, e_yz)
    assert nsup_xy == nsup_yz

    n_pad = -(-n // (NS * 8)) * (NS * 8)
    sx_pad = jnp.pad(s_x, ((0, n_pad - n), (0, 0)))
    sz_pad = jnp.pad(s_z, ((0, n_pad - n), (0, 0)))
    a, c = _sc_aggregate(sx_pad, sz_pad, ixy, jxy, wxy, kyz, jyz, wyz, n_pad,
                         nsup_xy)
    a = a[:n]
    c = c[:n]

    exy_raw, eyz_raw, mn = _tc_ep1(a, c, s_y, n, k, blk=2000)
    (loss, q, qobs, qexp, ax, ay, az, exy, eyz, alpha,
     gamma) = _tc_ep2(exy_raw, eyz_raw, mn, stats, a, c, s_y, n, k, blk=2000)

    return (loss.reshape(()), q.reshape(()), qobs.reshape(()),
            qexp.reshape(()), ax.reshape(k), ay.reshape(k), az.reshape(k),
            exy, eyz, alpha, gamma)

# --- scband reference (transcript-rebuilt; emitter-appended) ---
"""Pipeline reference for scband-dmo-n3-p-17188459118720 (READ-ONLY COPY).

The authoritative reference and input builder live on the scoring server;
editing this copy changes nothing except your own understanding.
"""

import jax, jax.numpy as jnp
import numpy as np
import math

NUM_X = 50000
NUM_Y = 50000
NUM_Z = 50000
L = 16
M = 16
N = 16
E_XY_N = 1600000
E_YZ_N = 1600000
BETA = 3.0
LAMBDA_X = 1e-4
LAMBDA_Y = 1e-4
LAMBDA_Z = 1e-4
GAMMA = 1.0
ENT_W = 1e-3
EPS = 1e-9


def setup_inputs(seed: int = 0):
    key = jax.random.key(seed)
    ks = jax.random.split(key, 7)
    return {
        "Sx_logits": jax.random.normal(ks[0], (NUM_X, L), dtype=jnp.float32),
        "Sy_logits": jax.random.normal(ks[1], (NUM_Y, M), dtype=jnp.float32),
        "Sz_logits": jax.random.normal(ks[2], (NUM_Z, N), dtype=jnp.float32),
        "edge_index_XY": jax.random.randint(ks[3], (2, E_XY_N), 0, NUM_X),
        "edge_weight_XY": jax.random.uniform(ks[4], (E_XY_N,), dtype=jnp.float32),
        "edge_index_YZ": jax.random.randint(ks[5], (2, E_YZ_N), 0, NUM_Y),
        "edge_weight_YZ": jax.random.uniform(ks[6], (E_YZ_N,), dtype=jnp.float32),
    }


def collapse_reg(S):
    n, k = S.shape
    col_sum = S.sum(axis=0)
    fro = jnp.linalg.norm(col_sum, ord=2)
    return math.sqrt(k) / max(n, 1) * fro - 1.0


def neg_entropy(S, eps=EPS):
    return (S * jnp.log(S + eps)).sum(axis=1).mean()


def reference(Sx_logits, Sy_logits, Sz_logits, edge_index_XY, edge_weight_XY, edge_index_YZ, edge_weight_YZ):
    S_X = jax.nn.softmax(Sx_logits, axis=1)
    S_Y = jax.nn.softmax(Sy_logits, axis=1)
    S_Z = jax.nn.softmax(Sz_logits, axis=1)
    i_xy, j_xy = edge_index_XY[0], edge_index_XY[1]
    j_yz, k_yz = edge_index_YZ[0], edge_index_YZ[1]
    w_xy = edge_weight_XY
    w_yz = edge_weight_YZ
    degX_Y = jax.ops.segment_sum(w_xy, j_xy, num_segments=NUM_Y)
    degZ_Y = jax.ops.segment_sum(w_yz, j_yz, num_segments=NUM_Y)
    valid_y_mask = (degX_Y > 0) & (degZ_Y > 0)
    prod_deg = degX_Y * degZ_Y
    omega = jnp.where(valid_y_mask, 1.0 / (prod_deg + EPS), 0.0)
    Mnorm = jnp.where(valid_y_mask, prod_deg, 0.0).sum() + EPS
    A = jax.ops.segment_sum(w_xy[:, None] * jnp.take(S_X, i_xy, axis=0), j_xy, num_segments=NUM_Y)
    C = jax.ops.segment_sum(w_yz[:, None] * jnp.take(S_Z, k_yz, axis=0), j_yz, num_segments=NUM_Y)
    AY = omega[:, None] * A
    CY = omega[:, None] * C
    E_XY = AY.T @ S_Y / Mnorm
    E_YZ = S_Y.T @ CY / Mnorm
    alpha = jax.nn.softmax(BETA * E_XY, axis=0)
    gamma_soft = jax.nn.softmax(BETA * E_YZ, axis=1)
    left_YM = AY @ alpha
    right_YM = CY @ gamma_soft.T
    Q_obs = (left_YM * S_Y * right_YM).sum() / Mnorm
    aX = E_XY.sum(axis=1)
    aY = E_XY.sum(axis=0)
    aZ = E_YZ.sum(axis=0)
    termL = alpha.T @ aX
    termR = gamma_soft @ aZ
    Q_exp = (termL * aY * termR).sum() / Mnorm
    Q = Q_obs - GAMMA * Q_exp
    reg_collapse = LAMBDA_X * collapse_reg(S_X) + LAMBDA_Y * collapse_reg(S_Y) + LAMBDA_Z * collapse_reg(S_Z)
    reg_entropy = ENT_W * (neg_entropy(S_X) + neg_entropy(S_Y) + neg_entropy(S_Z))
    loss = -Q + reg_collapse + reg_entropy
    return (loss, Q, Q_obs, Q_exp, aX, aY, aZ, E_XY, E_YZ, alpha, gamma_soft)

if __name__ == "__main__":
    import jax
    _d = setup_inputs()
    print(jax.jit(kernel)(*tuple(_d.values())))

</pallas_src>

<mosaic_0001>
#map = affine_map<(d0, d1) -> (0, 0)>
#map1 = affine_map<(d0, d1) -> (0)>
module attributes {stable_mosaic.version = 14 : i64} {
  func.func @body(%arg0: i32, %arg1: i32, %arg2: memref<50048x16xf32, #tpu.memory_space<hbm>>, %arg3: memref<50048x16xf32, #tpu.memory_space<hbm>>, %arg4: memref<12544x128xi32, #tpu.memory_space<hbm>>, %arg5: memref<12544x128xi32, #tpu.memory_space<hbm>>, %arg6: memref<1605632xf32, #tpu.memory_space<hbm>>, %arg7: memref<12544x128xi32, #tpu.memory_space<hbm>>, %arg8: memref<12544x128xi32, #tpu.memory_space<hbm>>, %arg9: memref<1605632xf32, #tpu.memory_space<hbm>>, %arg10: memref<50048x16xf32, #tpu.memory_space<hbm>>, %arg11: memref<50048x16xf32, #tpu.memory_space<hbm>>, %arg12: memref<14336x16xf32, #tpu.memory_space<vmem_shared>>, %arg13: memref<8x16xf32, #tpu.memory_space<vmem_shared>>, %arg14: memref<16x128xi32, #tpu.memory_space<vmem>>, %arg15: memref<16x128xi32, #tpu.memory_space<vmem>>, %arg16: memref<2048xf32, #tpu.memory_space<vmem>>, %arg17: memref<128x16xf32, #tpu.memory_space<vmem>>, %arg18: memref<8x16xf32, #tpu.memory_space<vmem>>, %arg19: memref<!tpu.dma_semaphore, #tpu.memory_space<semaphore_mem>>) attributes {dimension_semantics = [#tpu.dimension_semantics<core_parallel>, #tpu.dimension_semantics<subcore_parallel>], iteration_bounds = array<i64: 2, 16>, scalar_prefetch = 0 : i64, scratch_operands = 8 : i64, tpu.core_type = #tpu.core_type<sc_vector_subcore>, window_params = [{transform_indices = #map}, {transform_indices = #map}, {transform_indices = #map}, {transform_indices = #map}, {transform_indices = #map1}, {transform_indices = #map}, {transform_indices = #map}, {transform_indices = #map1}, {transform_indices = #map}, {transform_indices = #map}]} {
    %scan3A = arith.constant 0 : i32
    %scan3A_0 = arith.constant 0 : i32
    %scan3A_1 = arith.constant 8 : i32
    %scan3A_2 = arith.addi %scan3A_0, %scan3A_1 : i32
    %scan3A_3 = arith.constant 1 : i32
    %scan3A_4 = scf.for %scan3A_26 = %scan3A_0 to %scan3A_2 step %scan3A_3 iter_args(%scan3A_27 = %scan3A) -> (i32)  : i32 {
      %broadcast_in_dim3A = arith.constant 0.000000e+00 : f32
      %broadcast_in_dim3A_28 = vector.broadcast %broadcast_in_dim3A : f32 to vector<16xf32>
      %swap3A = arith.index_cast %scan3A_26 : i32 to index
      %swap3A_29 = arith.constant 0 : index
      %swap3A_30 = tpu.vector_load %arg18[%swap3A, %swap3A_29] {strides = array<i32>} : memref<8x16xf32, #tpu.memory_space<vmem>>, vector<1x16xf32>,
      %swap3A_31 = vector.shape_cast %swap3A_30 : vector<1x16xf32> to vector<16xf32>
      %swap3A_32 = vector.shape_cast %broadcast_in_dim3A_28 : vector<16xf32> to vector<1x16xf32>
      tpu.vector_store %arg18[%swap3A, %swap3A_29], %swap3A_32 {strides = array<i32>} : memref<8x16xf32, #tpu.memory_space<vmem>>, vector<1x16xf32>,
      %scan3A_33 = arith.constant 0 : i32
      scf.yield %scan3A_33 : i32
    }
    %scan3A_5 = arith.constant 8 : i32
    %scan3A_6 = arith.constant 0 : i32
    %scan3A_7 = arith.constant 0 : i32
    %scan3A_8 = arith.constant 112 : i32
    %scan3A_9 = arith.addi %scan3A_7, %scan3A_8 : i32
    %scan3A_10 = arith.constant 1 : i32
    %scan3A_11 = scf.for %scan3A_26 = %scan3A_7 to %scan3A_9 step %scan3A_10 iter_args(%scan3A_27 = %scan3A_6) -> (i32)  : i32 {
      %mul3A_28 = arith.constant 896 : i32
      %mul3A_29 = arith.muli %arg1, %mul3A_28 : i32
      %mul3A_30 = arith.constant 8 : i32
      %mul3A_31 = arith.muli %scan3A_26, %mul3A_30 : i32
      %add3A = arith.addi %mul3A_29, %mul3A_31 : i32
      "tpu.region"() ({
        %run_scoped3A = tpu.sem_alloc : memref<!tpu.dma_semaphore, #tpu.memory_space<semaphore_mem>>
        %dma_start3A = arith.constant 0 : i32
        %dma_start3A_33 = tpu.memref_slice %arg12[%add3A, %dma_start3A] : memref<14336x16xf32, #tpu.memory_space<vmem_shared>> -> memref<8x16xf32, #tpu.memory_space<vmem_shared>>
        %dma_start3A_34 = arith.constant 0 : i32
        %dma_start3A_35 = tpu.memref_slice %arg12[%add3A, %dma_start3A_34] : memref<14336x16xf32, #tpu.memory_space<vmem_shared>> -> memref<8x16xf32, #tpu.memory_space<vmem_shared>>
        tpu.enqueue_dma source(%arg18 : memref<8x16xf32, #tpu.memory_space<vmem>>) target(%dma_start3A_35 : memref<8x16xf32, #tpu.memory_space<vmem_shared>>) target_semaphore(%run_scoped3A : memref<!tpu.dma_semaphore, #tpu.memory_space<semaphore_mem>>)
        %dma_wait3A = arith.constant 0 : i32
        %dma_wait3A_36 = tpu.memref_slice %arg12[%add3A, %dma_wait3A] : memref<14336x16xf32, #tpu.memory_space<vmem_shared>> -> memref<8x16xf32, #tpu.memory_space<vmem_shared>>
        %dma_wait3A_37 = arith.constant 0 : i32
        %dma_wait3A_38 = tpu.memref_slice %arg12[%add3A, %dma_wait3A_37] : memref<14336x16xf32, #tpu.memory_space<vmem_shared>> -> memref<8x16xf32, #tpu.memory_space<vmem_shared>>
        tpu.wait_dma2 semaphore(%run_scoped3A : memref<!tpu.dma_semaphore, #tpu.memory_space<semaphore_mem>>) src(%arg18 : memref<8x16xf32, #tpu.memory_space<vmem>>) dst(%dma_wait3A_38 : memref<8x16xf32, #tpu.memory_space<vmem_shared>>)
        tpu.yield
      }) : () -> ()
      %scan3A_32 = arith.constant 0 : i32
      scf.yield %scan3A_32 : i32
    }
    %scan3A_12 = arith.constant 112 : i32
    %mul3A = arith.constant 3128 : i32
    %mul3A_13 = arith.muli %arg1, %mul3A : i32
    %barrier3A = arith.constant 0 : index
    tpu.barrier barrier_id(%barrier3A)
    %barrier3A_14 = arith.constant 0 : index
    tpu.barrier barrier_id(%barrier3A_14)
    %mul3A_15 = arith.constant 896 : i32
    %mul3A_16 = arith.muli %arg1, %mul3A_15 : i32
    %mul3A_17 = arith.constant 3128 : i32
    %mul3A_18 = arith.muli %arg1, %mul3A_17 : i32
    %eq3A = arith.constant 0 : i32
    %eq3A_19 = arith.cmpi eq, %arg0, %eq3A : i32
    %convert_element_type3A = arith.extui %eq3A_19 : i1 to i32
    %cond3A = arith.constant 0 : i32
    %cond3A_20 = arith.cmpi ne, %convert_element_type3A, %cond3A : i32
    scf.if %cond3A_20 {
      "tpu.region"() ({
        %run_scoped3A = tpu.sem_alloc : memref<!tpu.dma_semaphore, #tpu.memory_space<semaphore_mem>>
        %dma_start3A = arith.constant 0 : i32
        %dma_start3A_26 = tpu.memref_slice %arg10[%mul3A_18, %dma_start3A] : memref<50048x16xf32, #tpu.memory_space<hbm>> -> memref<896x16xf32, #tpu.memory_space<hbm>>
        %dma_start3A_27 = arith.constant 0 : i32
        %dma_start3A_28 = tpu.memref_slice %arg12[%mul3A_16, %dma_start3A_27] : memref<14336x16xf32, #tpu.memory_space<vmem_shared>> -> memref<896x16xf32, #tpu.memory_space<vmem_shared>>
        tpu.enqueue_dma source(%dma_start3A_28 : memref<896x16xf32, #tpu.memory_space<vmem_shared>>) target(%dma_start3A_26 : memref<896x16xf32, #tpu.memory_space<hbm>>) target_semaphore(%run_scoped3A : memref<!tpu.dma_semaphore, #tpu.memory_space<semaphore_mem>>)
        %dma_wait3A = arith.constant 0 : i32
        %dma_wait3A_29 = tpu.memref_slice %arg10[%mul3A_18, %dma_wait3A] : memref<50048x16xf32, #tpu.memory_space<hbm>> -> memref<896x16xf32, #tpu.memory_space<hbm>>
        %dma_wait3A_30 = arith.constant 0 : i32
        %dma_wait3A_31 = tpu.memref_slice %arg12[%mul3A_16, %dma_wait3A_30] : memref<14336x16xf32, #tpu.memory_space<vmem_shared>> -> memref<896x16xf32, #tpu.memory_space<vmem_shared>>
        tpu.wait_dma2 semaphore(%run_scoped3A : memref<!tpu.dma_semaphore, #tpu.memory_space<semaphore_mem>>) src(%dma_wait3A_31 : memref<896x16xf32, #tpu.memory_space<vmem_shared>>) dst(%dma_wait3A_29 : memref<896x16xf32, #tpu.memory_space<hbm>>)
        tpu.yield
      }) : () -> ()
    } else {
    }
    %eq3A_21 = arith.constant 1 : i32
    %eq3A_22 = arith.cmpi eq, %arg0, %eq3A_21 : i32
    %convert_element_type3A_23 = arith.extui %eq3A_22 : i1 to i32
    %cond3A_24 = arith.constant 0 : i32
    %cond3A_25 = arith.cmpi ne, %convert_element_type3A_23, %cond3A_24 : i32
    scf.if %cond3A_25 {
      "tpu.region"() ({
        %run_scoped3A = tpu.sem_alloc : memref<!tpu.dma_semaphore, #tpu.memory_space<semaphore_mem>>
        %dma_start3A = arith.constant 0 : i32
        %dma_start3A_26 = tpu.memref_slice %arg11[%mul3A_18, %dma_start3A] : memref<50048x16xf32, #tpu.memory_space<hbm>> -> memref<896x16xf32, #tpu.memory_space<hbm>>
        %dma_start3A_27 = arith.constant 0 : i32
        %dma_start3A_28 = tpu.memref_slice %arg12[%mul3A_16, %dma_start3A_27] : memref<14336x16xf32, #tpu.memory_space<vmem_shared>> -> memref<896x16xf32, #tpu.memory_space<vmem_shared>>
        tpu.enqueue_dma source(%dma_start3A_28 : memref<896x16xf32, #tpu.memory_space<vmem_shared>>) target(%dma_start3A_26 : memref<896x16xf32, #tpu.memory_space<hbm>>) target_semaphore(%run_scoped3A : memref<!tpu.dma_semaphore, #tpu.memory_space<semaphore_mem>>)
        %dma_wait3A = arith.constant 0 : i32
        %dma_wait3A_29 = tpu.memref_slice %arg11[%mul3A_18, %dma_wait3A] : memref<50048x16xf32, #tpu.memory_space<hbm>> -> memref<896x16xf32, #tpu.memory_space<hbm>>
        %dma_wait3A_30 = arith.constant 0 : i32
        %dma_wait3A_31 = tpu.memref_slice %arg12[%mul3A_16, %dma_wait3A_30] : memref<14336x16xf32, #tpu.memory_space<vmem_shared>> -> memref<896x16xf32, #tpu.memory_space<vmem_shared>>
        tpu.wait_dma2 semaphore(%run_scoped3A : memref<!tpu.dma_semaphore, #tpu.memory_space<semaphore_mem>>) src(%dma_wait3A_31 : memref<896x16xf32, #tpu.memory_space<vmem_shared>>) dst(%dma_wait3A_29 : memref<896x16xf32, #tpu.memory_space<hbm>>)
        tpu.yield
      }) : () -> ()
    } else {
    }
    return
  }
}

module attributes {stable_mosaic.version = 14 : i64} {
  func.func @body(%arg0: i32, %arg1: memref<2000x16xf32, #tpu.memory_space<vmem>>, %arg2: memref<2000x16xf32, #tpu.memory_space<vmem>>, %arg3: memref<2000x16xf32, #tpu.memory_space<vmem>>, %arg4: memref<2000x16xf32, #tpu.memory_space<vmem>>, %arg5: memref<2000x16xf32, #tpu.memory_space<vmem>>, %arg6: memref<2000x16xf32, #tpu.memory_space<vmem>>, %arg7: memref<8x16xf32, #tpu.memory_space<vmem>>, %arg8: memref<8x16xf32, #tpu.memory_space<vmem>>) attributes {dimension_semantics = [#tpu.dimension_semantics<arbitrary>], iteration_bounds = array<i64: 25>, scalar_prefetch = 0 : i64, scratch_operands = 1 : i64, tpu.core_type = #tpu.core_type<tc>, window_params = [{transform_indices = @transform_0, window_bounds = array<i64: 2000, 16>}, {transform_indices = @transform_1, window_bounds = array<i64: 2000, 16>}, {transform_indices = @transform_2, window_bounds = array<i64: 2000, 16>}, {transform_indices = @transform_3, window_bounds = array<i64: 2000, 16>}, {transform_indices = @transform_4, window_bounds = array<i64: 2000, 16>}, {transform_indices = @transform_5, window_bounds = array<i64: 2000, 16>}, {pipeline_mode = #tpu.pipeline_mode<synchronous>, transform_indices = @transform_6, window_bounds = array<i64: 8, 16>}]} {
    %eq3A = arith.constant 0 : i32
    %eq3A_0 = arith.cmpi eq, %arg0, %eq3A : i32
    %convert_element_type3A = arith.extui %eq3A_0 : i1 to i32
    %cond3A = arith.constant 0 : i32
    %cond3A_1 = arith.cmpi ne, %convert_element_type3A, %cond3A : i32
    scf.if %cond3A_1 {
      %broadcast_in_dim3A_122 = arith.constant 0.000000e+00 : f32
      %broadcast_in_dim3A_123 = vector.broadcast %broadcast_in_dim3A_122 : f32 to vector<8x16xf32>
      %swap3A_124 = arith.constant 0 : index
      %swap3A_125 = arith.constant 0 : index
      %swap3A_126 = vector.load %arg8[%swap3A_124, %swap3A_125] : memref<8x16xf32, #tpu.memory_space<vmem>>, vector<8x16xf32>
      tpu.vector_store %arg8[%swap3A_124, %swap3A_125], %broadcast_in_dim3A_123 {strides = array<i32>} : memref<8x16xf32, #tpu.memory_space<vmem>>, vector<8x16xf32>,
    } else {
    }
    %get3A = arith.constant 0 : index
    %get3A_2 = arith.constant 0 : index
    %get3A_3 = vector.load %arg1[%get3A, %get3A_2] : memref<2000x16xf32, #tpu.memory_space<vmem>>, vector<2000x16xf32>
    %reduce_max3A = arith.constant dense<0xFF800000> : vector<2000xf32>
    %reduce_max3A_4 = vector.multi_reduction <maximumf>, %get3A_3, %reduce_max3A [1] : vector<2000x16xf32> to vector<2000xf32>
    %broadcast_in_dim3A = vector.shape_cast %reduce_max3A_4 : vector<2000xf32> to vector<2000x1xf32>
    %sub3A = vector.broadcast %broadcast_in_dim3A : vector<2000x1xf32> to vector<2000x16xf32>
    %sub3A_5 = arith.subf %get3A_3, %sub3A : vector<2000x16xf32>
    %exp3A = math.exp %sub3A_5 : vector<2000x16xf32>
    %reduce_sum3A = arith.constant dense<0.000000e+00> : vector<2000xf32>
    %reduce_sum3A_6 = vector.multi_reduction <add>, %exp3A, %reduce_sum3A [1] : vector<2000x16xf32> to vector<2000xf32>
    %broadcast_in_dim3A_7 = vector.shape_cast %reduce_sum3A_6 : vector<2000xf32> to vector<2000x1xf32>
    %div3A = vector.broadcast %broadcast_in_dim3A_7 : vector<2000x1xf32> to vector<2000x16xf32>
    %div3A_8 = arith.divf %exp3A, %div3A : vector<2000x16xf32>
    %swap3A = arith.constant 0 : index
    %swap3A_9 = arith.constant 0 : index
    %swap3A_10 = vector.load %arg4[%swap3A, %swap3A_9] : memref<2000x16xf32, #tpu.memory_space<vmem>>, vector<2000x16xf32>
    tpu.vector_store %arg4[%swap3A, %swap3A_9], %div3A_8 {strides = array<i32>} : memref<2000x16xf32, #tpu.memory_space<vmem>>, vector<2000x16xf32>,
    %get3A_11 = arith.constant 0 : index
    %get3A_12 = arith.constant 0 : index
    %get3A_13 = vector.load %arg8[%get3A_11, %get3A_12] : memref<8x16xf32, #tpu.memory_space<vmem>>, vector<1x16xf32>
    %reduce_sum3A_14 = arith.constant dense<0.000000e+00> : vector<16xf32>
    %reduce_sum3A_15 = vector.multi_reduction <add>, %div3A_8, %reduce_sum3A_14 [0] : vector<2000x16xf32> to vector<16xf32>
    %broadcast_in_dim3A_16 = vector.shape_cast %reduce_sum3A_15 : vector<16xf32> to vector<1x16xf32>
    %add3A = arith.addf %get3A_13, %broadcast_in_dim3A_16 : vector<1x16xf32>
    %swap3A_17 = arith.constant 0 : index
    %swap3A_18 = arith.constant 0 : index
    %swap3A_19 = vector.load %arg8[%swap3A_17, %swap3A_18] : memref<8x16xf32, #tpu.memory_space<vmem>>, vector<1x16xf32>
    tpu.vector_store %arg8[%swap3A_17, %swap3A_18], %add3A {strides = array<i32>} : memref<8x16xf32, #tpu.memory_space<vmem>>, vector<1x16xf32>,
    %get3A_20 = arith.constant 3 : index
    %get3A_21 = arith.constant 0 : index
    %get3A_22 = vector.load %arg8[%get3A_20, %get3A_21] : memref<8x16xf32, #tpu.memory_space<vmem>>, vector<1x16xf32>
    %add3A_23 = arith.constant 9.99999971E-10 : f32
    %add3A_24 = vector.broadcast %add3A_23 : f32 to vector<2000x16xf32>
    %add3A_25 = arith.addf %div3A_8, %add3A_24 : vector<2000x16xf32>
    %log3A = math.log %add3A_25 : vector<2000x16xf32>
    %mul3A = arith.mulf %div3A_8, %log3A : vector<2000x16xf32>
    %reduce_sum3A_26 = arith.constant dense<0.000000e+00> : vector<16xf32>
    %reduce_sum3A_27 = vector.multi_reduction <add>, %mul3A, %reduce_sum3A_26 [0] : vector<2000x16xf32> to vector<16xf32>
    %broadcast_in_dim3A_28 = vector.shape_cast %reduce_sum3A_27 : vector<16xf32> to vector<1x16xf32>
    %add3A_29 = arith.addf %get3A_22, %broadcast_in_dim3A_28 : vector<1x16xf32>
    %swap3A_30 = arith.constant 3 : index
    %swap3A_31 = arith.constant 0 : index
    %swap3A_32 = vector.load %arg8[%swap3A_30, %swap3A_31] : memref<8x16xf32, #tpu.memory_space<vmem>>, vector<1x16xf32>
    tpu.vector_store %arg8[%swap3A_30, %swap3A_31], %add3A_29 {strides = array<i32>} : memref<8x16xf32, #tpu.memory_space<vmem>>, vector<1x16xf32>,
    %get3A_33 = arith.constant 0 : index
    %get3A_34 = arith.constant 0 : index
    %get3A_35 = vector.load %arg2[%get3A_33, %get3A_34] : memref<2000x16xf32, #tpu.memory_space<vmem>>, vector<2000x16xf32>
    %reduce_max3A_36 = arith.constant dense<0xFF800000> : vector<2000xf32>
    %reduce_max3A_37 = vector.multi_reduction <maximumf>, %get3A_35, %reduce_max3A_36 [1] : vector<2000x16xf32> to vector<2000xf32>
    %broadcast_in_dim3A_38 = vector.shape_cast %reduce_max3A_37 : vector<2000xf32> to vector<2000x1xf32>
    %sub3A_39 = vector.broadcast %broadcast_in_dim3A_38 : vector<2000x1xf32> to vector<2000x16xf32>
    %sub3A_40 = arith.subf %get3A_35, %sub3A_39 : vector<2000x16xf32>
    %exp3A_41 = math.exp %sub3A_40 : vector<2000x16xf32>
    %reduce_sum3A_42 = arith.constant dense<0.000000e+00> : vector<2000xf32>
    %reduce_sum3A_43 = vector.multi_reduction <add>, %exp3A_41, %reduce_sum3A_42 [1] : vector<2000x16xf32> to vector<2000xf32>
    %broadcast_in_dim3A_44 = vector.shape_cast %reduce_sum3A_43 : vector<2000xf32> to vector<2000x1xf32>
    %div3A_45 = vector.broadcast %broadcast_in_dim3A_44 : vector<2000x1xf32> to vector<2000x16xf32>
    %div3A_46 = arith.divf %exp3A_41, %div3A_45 : vector<2000x16xf32>
    %swap3A_47 = arith.constant 0 : index
    %swap3A_48 = arith.constant 0 : index
    %swap3A_49 = vector.load %arg5[%swap3A_47, %swap3A_48] : memref<2000x16xf32, #tpu.memory_space<vmem>>, vector<2000x16xf32>
    tpu.vector_store %arg5[%swap3A_47, %swap3A_48], %div3A_46 {strides = array<i32>} : memref<2000x16xf32, #tpu.memory_space<vmem>>, vector<2000x16xf32>,
    %get3A_50 = arith.constant 1 : index
    %get3A_51 = arith.constant 0 : index
    %get3A_52 = vector.load %arg8[%get3A_50, %get3A_51] : memref<8x16xf32, #tpu.memory_space<vmem>>, vector<1x16xf32>
    %reduce_sum3A_53 = arith.constant dense<0.000000e+00> : vector<16xf32>
    %reduce_sum3A_54 = vector.multi_reduction <add>, %div3A_46, %reduce_sum3A_53 [0] : vector<2000x16xf32> to vector<16xf32>
    %broadcast_in_dim3A_55 = vector.shape_cast %reduce_sum3A_54 : vector<16xf32> to vector<1x16xf32>
    %add3A_56 = arith.addf %get3A_52, %broadcast_in_dim3A_55 : vector<1x16xf32>
    %swap3A_57 = arith.constant 1 : index
    %swap3A_58 = arith.constant 0 : index
    %swap3A_59 = vector.load %arg8[%swap3A_57, %swap3A_58] : memref<8x16xf32, #tpu.memory_space<vmem>>, vector<1x16xf32>
    tpu.vector_store %arg8[%swap3A_57, %swap3A_58], %add3A_56 {strides = array<i32>} : memref<8x16xf32, #tpu.memory_space<vmem>>, vector<1x16xf32>,
    %get3A_60 = arith.constant 4 : index
    %get3A_61 = arith.constant 0 : index
    %get3A_62 = vector.load %arg8[%get3A_60, %get3A_61] : memref<8x16xf32, #tpu.memory_space<vmem>>, vector<1x16xf32>
    %add3A_63 = arith.constant 9.99999971E-10 : f32
    %add3A_64 = vector.broadcast %add3A_63 : f32 to vector<2000x16xf32>
    %add3A_65 = arith.addf %div3A_46, %add3A_64 : vector<2000x16xf32>
    %log3A_66 = math.log %add3A_65 : vector<2000x16xf32>
    %mul3A_67 = arith.mulf %div3A_46, %log3A_66 : vector<2000x16xf32>
    %reduce_sum3A_68 = arith.constant dense<0.000000e+00> : vector<16xf32>
    %reduce_sum3A_69 = vector.multi_reduction <add>, %mul3A_67, %reduce_sum3A_68 [0] : vector<2000x16xf32> to vector<16xf32>
    %broadcast_in_dim3A_70 = vector.shape_cast %reduce_sum3A_69 : vector<16xf32> to vector<1x16xf32>
    %add3A_71 = arith.addf %get3A_62, %broadcast_in_dim3A_70 : vector<1x16xf32>
    %swap3A_72 = arith.constant 4 : index
    %swap3A_73 = arith.constant 0 : index
    %swap3A_74 = vector.load %arg8[%swap3A_72, %swap3A_73] : memref<8x16xf32, #tpu.memory_space<vmem>>, vector<1x16xf32>
    tpu.vector_store %arg8[%swap3A_72, %swap3A_73], %add3A_71 {strides = array<i32>} : memref<8x16xf32, #tpu.memory_space<vmem>>, vector<1x16xf32>,
    %get3A_75 = arith.constant 0 : index
    %get3A_76 = arith.constant 0 : index
    %get3A_77 = vector.load %arg3[%get3A_75, %get3A_76] : memref<2000x16xf32, #tpu.memory_space<vmem>>, vector<2000x16xf32>
    %reduce_max3A_78 = arith.constant dense<0xFF800000> : vector<2000xf32>
    %reduce_max3A_79 = vector.multi_reduction <maximumf>, %get3A_77, %reduce_max3A_78 [1] : vector<2000x16xf32> to vector<2000xf32>
    %broadcast_in_dim3A_80 = vector.shape_cast %reduce_max3A_79 : vector<2000xf32> to vector<2000x1xf32>
    %sub3A_81 = vector.broadcast %broadcast_in_dim3A_80 : vector<2000x1xf32> to vector<2000x16xf32>
    %sub3A_82 = arith.subf %get3A_77, %sub3A_81 : vector<2000x16xf32>
    %exp3A_83 = math.exp %sub3A_82 : vector<2000x16xf32>
    %reduce_sum3A_84 = arith.constant dense<0.000000e+00> : vector<2000xf32>
    %reduce_sum3A_85 = vector.multi_reduction <add>, %exp3A_83, %reduce_sum3A_84 [1] : vector<2000x16xf32> to vector<2000xf32>
    %broadcast_in_dim3A_86 = vector.shape_cast %reduce_sum3A_85 : vector<2000xf32> to vector<2000x1xf32>
    %div3A_87 = vector.broadcast %broadcast_in_dim3A_86 : vector<2000x1xf32> to vector<2000x16xf32>
    %div3A_88 = arith.divf %exp3A_83, %div3A_87 : vector<2000x16xf32>
    %swap3A_89 = arith.constant 0 : index
    %swap3A_90 = arith.constant 0 : index
    %swap3A_91 = vector.load %arg6[%swap3A_89, %swap3A_90] : memref<2000x16xf32, #tpu.memory_space<vmem>>, vector<2000x16xf32>
    tpu.vector_store %arg6[%swap3A_89, %swap3A_90], %div3A_88 {strides = array<i32>} : memref<2000x16xf32, #tpu.memory_space<vmem>>, vector<2000x16xf32>,
    %get3A_92 = arith.constant 2 : index
    %get3A_93 = arith.constant 0 : index
    %get3A_94 = vector.load %arg8[%get3A_92, %get3A_93] : memref<8x16xf32, #tpu.memory_space<vmem>>, vector<1x16xf32>
    %reduce_sum3A_95 = arith.constant dense<0.000000e+00> : vector<16xf32>
    %reduce_sum3A_96 = vector.multi_reduction <add>, %div3A_88, %reduce_sum3A_95 [0] : vector<2000x16xf32> to vector<16xf32>
    %broadcast_in_dim3A_97 = vector.shape_cast %reduce_sum3A_96 : vector<16xf32> to vector<1x16xf32>
    %add3A_98 = arith.addf %get3A_94, %broadcast_in_dim3A_97 : vector<1x16xf32>
    %swap3A_99 = arith.constant 2 : index
    %swap3A_100 = arith.constant 0 : index
    %swap3A_101 = vector.load %arg8[%swap3A_99, %swap3A_100] : memref<8x16xf32, #tpu.memory_space<vmem>>, vector<1x16xf32>
    tpu.vector_store %arg8[%swap3A_99, %swap3A_100], %add3A_98 {strides = array<i32>} : memref<8x16xf32, #tpu.memory_space<vmem>>, vector<1x16xf32>,
    %get3A_102 = arith.constant 5 : index
    %get3A_103 = arith.constant 0 : index
    %get3A_104 = vector.load %arg8[%get3A_102, %get3A_103] : memref<8x16xf32, #tpu.memory_space<vmem>>, vector<1x16xf32>
    %add3A_105 = arith.constant 9.99999971E-10 : f32
    %add3A_106 = vector.broadcast %add3A_105 : f32 to vector<2000x16xf32>
    %add3A_107 = arith.addf %div3A_88, %add3A_106 : vector<2000x16xf32>
    %log3A_108 = math.log %add3A_107 : vector<2000x16xf32>
    %mul3A_109 = arith.mulf %div3A_88, %log3A_108 : vector<2000x16xf32>
    %reduce_sum3A_110 = arith.constant dense<0.000000e+00> : vector<16xf32>
    %reduce_sum3A_111 = vector.multi_reduction <add>, %mul3A_109, %reduce_sum3A_110 [0] : vector<2000x16xf32> to vector<16xf32>
    %broadcast_in_dim3A_112 = vector.shape_cast %reduce_sum3A_111 : vector<16xf32> to vector<1x16xf32>
    %add3A_113 = arith.addf %get3A_104, %broadcast_in_dim3A_112 : vector<1x16xf32>
    %swap3A_114 = arith.constant 5 : index
    %swap3A_115 = arith.constant 0 : index
    %swap3A_116 = vector.load %arg8[%swap3A_114, %swap3A_115] : memref<8x16xf32, #tpu.memory_space<vmem>>, vector<1x16xf32>
    tpu.vector_store %arg8[%swap3A_114, %swap3A_115], %add3A_113 {strides = array<i32>} : memref<8x16xf32, #tpu.memory_space<vmem>>, vector<1x16xf32>,
    %eq3A_117 = arith.constant 24 : i32
    %eq3A_118 = arith.cmpi eq, %arg0, %eq3A_117 : i32
    %convert_element_type3A_119 = arith.extui %eq3A_118 : i1 to i32
    %cond3A_120 = arith.constant 0 : i32
    %cond3A_121 = arith.cmpi ne, %convert_element_type3A_119, %cond3A_120 : i32
    scf.if %cond3A_121 {
      %get3A_122 = arith.constant 0 : index
      %get3A_123 = arith.constant 0 : index
      %get3A_124 = vector.load %arg8[%get3A_122, %get3A_123] : memref<8x16xf32, #tpu.memory_space<vmem>>, vector<8x16xf32>
      %swap3A_125 = arith.constant 0 : index
      %swap3A_126 = arith.constant 0 : index
      %swap3A_127 = vector.load %arg7[%swap3A_125, %swap3A_126] : memref<8x16xf32, #tpu.memory_space<vmem>>, vector<8x16xf32>
      tpu.vector_store %arg7[%swap3A_125, %swap3A_126], %get3A_124 {strides = array<i32>} : memref<8x16xf32, #tpu.memory_space<vmem>>, vector<8x16xf32>,
    } else {
    }
    return
  }
  func.func @transform_0(%arg0: i32) -> (i32, i32) {
    %c0_i32 = arith.constant 0 : i32
    %c0_i32_0 = arith.constant 0 : i32
    return %arg0, %c0_i32 : i32, i32
  }
  func.func @transform_1(%arg0: i32) -> (i32, i32) {
    %c0_i32 = arith.constant 0 : i32
    %c0_i32_0 = arith.constant 0 : i32
    return %arg0, %c0_i32 : i32, i32
  }
  func.func @transform_2(%arg0: i32) -> (i32, i32) {
    %c0_i32 = arith.constant 0 : i32
    %c0_i32_0 = arith.constant 0 : i32
    return %arg0, %c0_i32 : i32, i32
  }
  func.func @transform_3(%arg0: i32) -> (i32, i32) {
    %c0_i32 = arith.constant 0 : i32
    %c0_i32_0 = arith.constant 0 : i32
    return %arg0, %c0_i32 : i32, i32
  }
  func.func @transform_4(%arg0: i32) -> (i32, i32) {
    %c0_i32 = arith.constant 0 : i32
    %c0_i32_0 = arith.constant 0 : i32
    return %arg0, %c0_i32 : i32, i32
  }
  func.func @transform_5(%arg0: i32) -> (i32, i32) {
    %c0_i32 = arith.constant 0 : i32
    %c0_i32_0 = arith.constant 0 : i32
    return %arg0, %c0_i32 : i32, i32
  }
  func.func @transform_6(%arg0: i32) -> (i32, i32) {
    %c0_i32 = arith.constant 0 : i32
    %c0_i32_0 = arith.constant 0 : i32
    %c0_i32_1 = arith.constant 0 : i32
    return %c0_i32, %c0_i32_0 : i32, i32
  }
}

module attributes {stable_mosaic.version = 14 : i64} {
  func.func @body(%arg0: i32, %arg1: memref<2000x16xf32, #tpu.memory_space<vmem>>, %arg2: memref<2000x16xf32, #tpu.memory_space<vmem>>, %arg3: memref<2000x16xf32, #tpu.memory_space<vmem>>, %arg4: memref<16x16xf32, #tpu.memory_space<vmem>>, %arg5: memref<16x16xf32, #tpu.memory_space<vmem>>, %arg6: memref<1x1xf32, #tpu.memory_space<vmem>>, %arg7: memref<16x16xf32, #tpu.memory_space<vmem>>, %arg8: memref<16x16xf32, #tpu.memory_space<vmem>>, %arg9: memref<1x1xf32, #tpu.memory_space<vmem>>) attributes {dimension_semantics = [#tpu.dimension_semantics<arbitrary>], iteration_bounds = array<i64: 25>, scalar_prefetch = 0 : i64, scratch_operands = 3 : i64, tpu.core_type = #tpu.core_type<tc>, window_params = [{transform_indices = @transform_0, window_bounds = array<i64: 2000, 16>}, {transform_indices = @transform_1, window_bounds = array<i64: 2000, 16>}, {transform_indices = @transform_2, window_bounds = array<i64: 2000, 16>}, {pipeline_mode = #tpu.pipeline_mode<synchronous>, transform_indices = @transform_3, window_bounds = array<i64: 16, 16>}, {pipeline_mode = #tpu.pipeline_mode<synchronous>, transform_indices = @transform_4, window_bounds = array<i64: 16, 16>}, {pipeline_mode = #tpu.pipeline_mode<synchronous>, transform_indices = @transform_5, window_bounds = array<i64: 1, 1>}]} {
    %eq3A = arith.constant 0 : i32
    %eq3A_0 = arith.cmpi eq, %arg0, %eq3A : i32
    %convert_element_type3A = arith.extui %eq3A_0 : i1 to i32
    %cond3A = arith.constant 0 : i32
    %cond3A_1 = arith.cmpi ne, %convert_element_type3A, %cond3A : i32
    scf.if %cond3A_1 {
      %broadcast_in_dim3A_62 = arith.constant 0.000000e+00 : f32
      %broadcast_in_dim3A_63 = vector.broadcast %broadcast_in_dim3A_62 : f32 to vector<16x16xf32>
      %swap3A_64 = arith.constant 0 : index
      %swap3A_65 = arith.constant 0 : index
      %swap3A_66 = vector.load %arg7[%swap3A_64, %swap3A_65] : memref<16x16xf32, #tpu.memory_space<vmem>>, vector<16x16xf32>
      tpu.vector_store %arg7[%swap3A_64, %swap3A_65], %broadcast_in_dim3A_63 {strides = array<i32>} : memref<16x16xf32, #tpu.memory_space<vmem>>, vector<16x16xf32>,
      %broadcast_in_dim3A_67 = arith.constant 0.000000e+00 : f32
      %broadcast_in_dim3A_68 = vector.broadcast %broadcast_in_dim3A_67 : f32 to vector<16x16xf32>
      %swap3A_69 = arith.constant 0 : index
      %swap3A_70 = arith.constant 0 : index
      %swap3A_71 = vector.load %arg8[%swap3A_69, %swap3A_70] : memref<16x16xf32, #tpu.memory_space<vmem>>, vector<16x16xf32>
      tpu.vector_store %arg8[%swap3A_69, %swap3A_70], %broadcast_in_dim3A_68 {strides = array<i32>} : memref<16x16xf32, #tpu.memory_space<vmem>>, vector<16x16xf32>,
      %broadcast_in_dim3A_72 = arith.constant 0.000000e+00 : f32
      %broadcast_in_dim3A_73 = vector.broadcast %broadcast_in_dim3A_72 : f32 to vector<1x1xf32>
      %swap3A_74 = arith.constant 0 : index
      %swap3A_75 = arith.constant 0 : index
      %swap3A_76 = vector.load %arg9[%swap3A_74, %swap3A_75] : memref<1x1xf32, #tpu.memory_space<vmem>>, vector<1x1xf32>
      tpu.vector_store %arg9[%swap3A_74, %swap3A_75], %broadcast_in_dim3A_73 {strides = array<i32>} : memref<1x1xf32, #tpu.memory_space<vmem>>, vector<1x1xf32>,
    } else {
    }
    %get3A = arith.constant 0 : index
    %get3A_2 = arith.constant 0 : index
    %get3A_3 = vector.load %arg1[%get3A, %get3A_2] : memref<2000x16xf32, #tpu.memory_space<vmem>>, vector<2000x16xf32>
    %get3A_4 = arith.constant 0 : index
    %get3A_5 = arith.constant 0 : index
    %get3A_6 = vector.load %arg2[%get3A_4, %get3A_5] : memref<2000x16xf32, #tpu.memory_space<vmem>>, vector<2000x16xf32>
    %get3A_7 = arith.constant 0 : index
    %get3A_8 = arith.constant 0 : index
    %get3A_9 = vector.load %arg3[%get3A_7, %get3A_8] : memref<2000x16xf32, #tpu.memory_space<vmem>>, vector<2000x16xf32>
    %reduce_sum3A = arith.constant dense<0.000000e+00> : vector<2000xf32>
    %reduce_sum3A_10 = vector.multi_reduction <add>, %get3A_3, %reduce_sum3A [1] : vector<2000x16xf32> to vector<2000xf32>
    %broadcast_in_dim3A = vector.shape_cast %reduce_sum3A_10 : vector<2000xf32> to vector<2000x1xf32>
    %reduce_sum3A_11 = arith.constant dense<0.000000e+00> : vector<2000xf32>
    %reduce_sum3A_12 = vector.multi_reduction <add>, %get3A_6, %reduce_sum3A_11 [1] : vector<2000x16xf32> to vector<2000xf32>
    %broadcast_in_dim3A_13 = vector.shape_cast %reduce_sum3A_12 : vector<2000xf32> to vector<2000x1xf32>
    %gt3A = arith.constant 0.000000e+00 : f32
    %gt3A_14 = vector.broadcast %gt3A : f32 to vector<2000x1xf32>
    %gt3A_15 = arith.cmpf ogt, %broadcast_in_dim3A, %gt3A_14 : vector<2000x1xf32>
    %gt3A_16 = arith.constant 0.000000e+00 : f32
    %gt3A_17 = vector.broadcast %gt3A_16 : f32 to vector<2000x1xf32>
    %gt3A_18 = arith.cmpf ogt, %broadcast_in_dim3A_13, %gt3A_17 : vector<2000x1xf32>
    %and3A = arith.andi %gt3A_15, %gt3A_18 : vector<2000x1xi1>
    %mul3A = arith.mulf %broadcast_in_dim3A, %broadcast_in_dim3A_13 : vector<2000x1xf32>
    %add3A = arith.constant 9.99999971E-10 : f32
    %add3A_19 = vector.broadcast %add3A : f32 to vector<2000x1xf32>
    %add3A_20 = arith.addf %mul3A, %add3A_19 : vector<2000x1xf32>
    %div3A = arith.constant 1.000000e+00 : f32
    %div3A_21 = vector.broadcast %div3A : f32 to vector<2000x1xf32>
    %div3A_22 = arith.divf %div3A_21, %add3A_20 : vector<2000x1xf32>
    %jit3A = arith.constant 0.000000e+00 : f32
    %broadcast_in_dim3A_23 = vector.broadcast %jit3A : f32 to vector<2000x1xf32>
    %select_n3A = arith.select %and3A, %div3A_22, %broadcast_in_dim3A_23 : vector<2000x1xi1>, vector<2000x1xf32>
    %get3A_24 = arith.constant 0 : index
    %get3A_25 = arith.constant 0 : index
    %get3A_26 = vector.load %arg9[%get3A_24, %get3A_25] : memref<1x1xf32, #tpu.memory_space<vmem>>, vector<1x1xf32>
    %jit3A_27 = arith.constant 0.000000e+00 : f32
    %broadcast_in_dim3A_28 = vector.broadcast %jit3A_27 : f32 to vector<2000x1xf32>
    %select_n3A_29 = arith.select %and3A, %mul3A, %broadcast_in_dim3A_28 : vector<2000x1xi1>, vector<2000x1xf32>
    %reduce_sum3A_30 = arith.constant dense<0.000000e+00> : vector<1xf32>
    %reduce_sum3A_31 = vector.multi_reduction <add>, %select_n3A_29, %reduce_sum3A_30 [0] : vector<2000x1xf32> to vector<1xf32>
    %broadcast_in_dim3A_32 = vector.shape_cast %reduce_sum3A_31 : vector<1xf32> to vector<1x1xf32>
    %add3A_33 = arith.addf %get3A_26, %broadcast_in_dim3A_32 : vector<1x1xf32>
    %swap3A = arith.constant 0 : index
    %swap3A_34 = arith.constant 0 : index
    %swap3A_35 = vector.load %arg9[%swap3A, %swap3A_34] : memref<1x1xf32, #tpu.memory_space<vmem>>, vector<1x1xf32>
    tpu.vector_store %arg9[%swap3A, %swap3A_34], %add3A_33 {strides = array<i32>} : memref<1x1xf32, #tpu.memory_space<vmem>>, vector<1x1xf32>,
    %mul3A_36 = vector.broadcast %select_n3A : vector<2000x1xf32> to vector<2000x16xf32>
    %mul3A_37 = arith.mulf %get3A_3, %mul3A_36 : vector<2000x16xf32>
    %mul3A_38 = vector.broadcast %select_n3A : vector<2000x1xf32> to vector<2000x16xf32>
    %mul3A_39 = arith.mulf %get3A_6, %mul3A_38 : vector<2000x16xf32>
    %get3A_40 = arith.constant 0 : index
    %get3A_41 = arith.constant 0 : index
    %get3A_42 = vector.load %arg7[%get3A_40, %get3A_41] : memref<16x16xf32, #tpu.memory_space<vmem>>, vector<16x16xf32>
    %dot_general3A = arith.constant dense<0.000000e+00> : vector<16x16xf32>
    %dot_general3A_43 = tpu.matmul %mul3A_37, %get3A_9, %dot_general3A {dimension_numbers = #tpu.dot_dimension_numbers<[0], [0], [1], [1], [0, 1, 1, 1], [], []>, transpose_lhs_hint = false} : vector<2000x16xf32>, vector<2000x16xf32>, vector<16x16xf32> -> vector<16x16xf32>
    %add3A_44 = arith.addf %get3A_42, %dot_general3A_43 : vector<16x16xf32>
    %swap3A_45 = arith.constant 0 : index
    %swap3A_46 = arith.constant 0 : index
    %swap3A_47 = vector.load %arg7[%swap3A_45, %swap3A_46] : memref<16x16xf32, #tpu.memory_space<vmem>>, vector<16x16xf32>
    tpu.vector_store %arg7[%swap3A_45, %swap3A_46], %add3A_44 {strides = array<i32>} : memref<16x16xf32, #tpu.memory_space<vmem>>, vector<16x16xf32>,
    %get3A_48 = arith.constant 0 : index
    %get3A_49 = arith.constant 0 : index
    %get3A_50 = vector.load %arg8[%get3A_48, %get3A_49] : memref<16x16xf32, #tpu.memory_space<vmem>>, vector<16x16xf32>
    %dot_general3A_51 = arith.constant dense<0.000000e+00> : vector<16x16xf32>
    %dot_general3A_52 = tpu.matmul %get3A_9, %mul3A_39, %dot_general3A_51 {dimension_numbers = #tpu.dot_dimension_numbers<[0], [0], [1], [1], [0, 1, 1, 1], [], []>, transpose_lhs_hint = false} : vector<2000x16xf32>, vector<2000x16xf32>, vector<16x16xf32> -> vector<16x16xf32>
    %add3A_53 = arith.addf %get3A_50, %dot_general3A_52 : vector<16x16xf32>
    %swap3A_54 = arith.constant 0 : index
    %swap3A_55 = arith.constant 0 : index
    %swap3A_56 = vector.load %arg8[%swap3A_54, %swap3A_55] : memref<16x16xf32, #tpu.memory_space<vmem>>, vector<16x16xf32>
    tpu.vector_store %arg8[%swap3A_54, %swap3A_55], %add3A_53 {strides = array<i32>} : memref<16x16xf32, #tpu.memory_space<vmem>>, vector<16x16xf32>,
    %eq3A_57 = arith.constant 24 : i32
    %eq3A_58 = arith.cmpi eq, %arg0, %eq3A_57 : i32
    %convert_element_type3A_59 = arith.extui %eq3A_58 : i1 to i32
    %cond3A_60 = arith.constant 0 : i32
    %cond3A_61 = arith.cmpi ne, %convert_element_type3A_59, %cond3A_60 : i32
    scf.if %cond3A_61 {
      %get3A_62 = arith.constant 0 : index
      %get3A_63 = arith.constant 0 : index
      %get3A_64 = vector.load %arg7[%get3A_62, %get3A_63] : memref<16x16xf32, #tpu.memory_space<vmem>>, vector<16x16xf32>
      %swap3A_65 = arith.constant 0 : index
      %swap3A_66 = arith.constant 0 : index
      %swap3A_67 = vector.load %arg4[%swap3A_65, %swap3A_66] : memref<16x16xf32, #tpu.memory_space<vmem>>, vector<16x16xf32>
      tpu.vector_store %arg4[%swap3A_65, %swap3A_66], %get3A_64 {strides = array<i32>} : memref<16x16xf32, #tpu.memory_space<vmem>>, vector<16x16xf32>,
      %get3A_68 = arith.constant 0 : index
      %get3A_69 = arith.constant 0 : index
      %get3A_70 = vector.load %arg8[%get3A_68, %get3A_69] : memref<16x16xf32, #tpu.memory_space<vmem>>, vector<16x16xf32>
      %swap3A_71 = arith.constant 0 : index
      %swap3A_72 = arith.constant 0 : index
      %swap3A_73 = vector.load %arg5[%swap3A_71, %swap3A_72] : memref<16x16xf32, #tpu.memory_space<vmem>>, vector<16x16xf32>
      tpu.vector_store %arg5[%swap3A_71, %swap3A_72], %get3A_70 {strides = array<i32>} : memref<16x16xf32, #tpu.memory_space<vmem>>, vector<16x16xf32>,
      %get3A_74 = arith.constant 0 : index
      %get3A_75 = arith.constant 0 : index
      %get3A_76 = vector.load %arg9[%get3A_74, %get3A_75] : memref<1x1xf32, #tpu.memory_space<vmem>>, vector<1x1xf32>
      %add3A_77 = arith.constant 9.99999971E-10 : f32
      %add3A_78 = vector.broadcast %add3A_77 : f32 to vector<1x1xf32>
      %add3A_79 = arith.addf %get3A_76, %add3A_78 : vector<1x1xf32>
      %swap3A_80 = arith.constant 0 : index
      %swap3A_81 = arith.constant 0 : index
      %swap3A_82 = vector.load %arg6[%swap3A_80, %swap3A_81] : memref<1x1xf32, #tpu.memory_space<vmem>>, vector<1x1xf32>
      tpu.vector_store %arg6[%swap3A_80, %swap3A_81], %add3A_79 {strides = array<i32>} : memref<1x1xf32, #tpu.memory_space<vmem>>, vector<1x1xf32>,
    } else {
    }
    return
  }
  func.func @transform_0(%arg0: i32) -> (i32, i32) {
    %c0_i32 = arith.constant 0 : i32
    %c0_i32_0 = arith.constant 0 : i32
    return %arg0, %c0_i32 : i32, i32
  }
  func.func @transform_1(%arg0: i32) -> (i32, i32) {
    %c0_i32 = arith.constant 0 : i32
    %c0_i32_0 = arith.constant 0 : i32
    return %arg0, %c0_i32 : i32, i32
  }
  func.func @transform_2(%arg0: i32) -> (i32, i32) {
    %c0_i32 = arith.constant 0 : i32
    %c0_i32_0 = arith.constant 0 : i32
    return %arg0, %c0_i32 : i32, i32
  }
  func.func @transform_3(%arg0: i32) -> (i32, i32) {
    %c0_i32 = arith.constant 0 : i32
    %c0_i32_0 = arith.constant 0 : i32
    %c0_i32_1 = arith.constant 0 : i32
    return %c0_i32, %c0_i32_0 : i32, i32
  }
  func.func @transform_4(%arg0: i32) -> (i32, i32) {
    %c0_i32 = arith.constant 0 : i32
    %c0_i32_0 = arith.constant 0 : i32
    %c0_i32_1 = arith.constant 0 : i32
    return %c0_i32, %c0_i32_0 : i32, i32
  }
  func.func @transform_5(%arg0: i32) -> (i32, i32) {
    %c0_i32 = arith.constant 0 : i32
    %c0_i32_0 = arith.constant 0 : i32
    %c0_i32_1 = arith.constant 0 : i32
    return %c0_i32, %c0_i32_0 : i32, i32
  }
}

module attributes {stable_mosaic.version = 14 : i64} {
  func.func @body(%arg0: i32, %arg1: memref<16x16xf32, #tpu.memory_space<vmem>>, %arg2: memref<16x16xf32, #tpu.memory_space<vmem>>, %arg3: memref<1x1xf32, #tpu.memory_space<vmem>>, %arg4: memref<8x16xf32, #tpu.memory_space<vmem>>, %arg5: memref<2000x16xf32, #tpu.memory_space<vmem>>, %arg6: memref<2000x16xf32, #tpu.memory_space<vmem>>, %arg7: memref<2000x16xf32, #tpu.memory_space<vmem>>, %arg8: memref<1x1xf32, #tpu.memory_space<vmem>>, %arg9: memref<1x1xf32, #tpu.memory_space<vmem>>, %arg10: memref<1x1xf32, #tpu.memory_space<vmem>>, %arg11: memref<1x1xf32, #tpu.memory_space<vmem>>, %arg12: memref<1x16xf32, #tpu.memory_space<vmem>>, %arg13: memref<1x16xf32, #tpu.memory_space<vmem>>, %arg14: memref<1x16xf32, #tpu.memory_space<vmem>>, %arg15: memref<16x16xf32, #tpu.memory_space<vmem>>, %arg16: memref<16x16xf32, #tpu.memory_space<vmem>>, %arg17: memref<16x16xf32, #tpu.memory_space<vmem>>, %arg18: memref<16x16xf32, #tpu.memory_space<vmem>>, %arg19: memref<16x16xf32, #tpu.memory_space<vmem>>, %arg20: memref<16x16xf32, #tpu.memory_space<vmem>>, %arg21: memref<1x16xf32, #tpu.memory_space<vmem>>) attributes {dimension_semantics = [#tpu.dimension_semantics<arbitrary>], iteration_bounds = array<i64: 25>, scalar_prefetch = 0 : i64, scratch_operands = 3 : i64, tpu.core_type = #tpu.core_type<tc>, window_params = [{pipeline_mode = #tpu.pipeline_mode<synchronous>, transform_indices = @transform_0, window_bounds = array<i64: 16, 16>}, {pipeline_mode = #tpu.pipeline_mode<synchronous>, transform_indices = @transform_1, window_bounds = array<i64: 16, 16>}, {pipeline_mode = #tpu.pipeline_mode<synchronous>, transform_indices = @transform_2, window_bounds = array<i64: 1, 1>}, {pipeline_mode = #tpu.pipeline_mode<synchronous>, transform_indices = @transform_3, window_bounds = array<i64: 8, 16>}, {transform_indices = @transform_4, window_bounds = array<i64: 2000, 16>}, {transform_indices = @transform_5, window_bounds = array<i64: 2000, 16>}, {transform_indices = @transform_6, window_bounds = array<i64: 2000, 16>}, {pipeline_mode = #tpu.pipeline_mode<synchronous>, transform_indices = @transform_7, window_bounds = array<i64: 1, 1>}, {pipeline_mode = #tpu.pipeline_mode<synchronous>, transform_indices = @transform_8, window_bounds = array<i64: 1, 1>}, {pipeline_mode = #tpu.pipeline_mode<synchronous>, transform_indices = @transform_9, window_bounds = array<i64: 1, 1>}, {pipeline_mode = #tpu.pipeline_mode<synchronous>, transform_indices = @transform_10, window_bounds = array<i64: 1, 1>}, {pipeline_mode = #tpu.pipeline_mode<synchronous>, transform_indices = @transform_11, window_bounds = array<i64: 1, 16>}, {pipeline_mode = #tpu.pipeline_mode<synchronous>, transform_indices = @transform_12, window_bounds = array<i64: 1, 16>}, {pipeline_mode = #tpu.pipeline_mode<synchronous>, transform_indices = @transform_13, window_bounds = array<i64: 1, 16>}, {pipeline_mode = #tpu.pipeline_mode<synchronous>, transform_indices = @transform_14, window_bounds = array<i64: 16, 16>}, {pipeline_mode = #tpu.pipeline_mode<synchronous>, transform_indices = @transform_15, window_bounds = array<i64: 16, 16>}, {pipeline_mode = #tpu.pipeline_mode<synchronous>, transform_indices = @transform_16, window_bounds = array<i64: 16, 16>}, {pipeline_mode = #tpu.pipeline_mode<synchronous>, transform_indices = @transform_17, window_bounds = array<i64: 16, 16>}]} {
    %eq3A = arith.constant 0 : i32
    %eq3A_0 = arith.cmpi eq, %arg0, %eq3A : i32
    %convert_element_type3A = arith.extui %eq3A_0 : i1 to i32
    %cond3A = arith.constant 0 : i32
    %cond3A_1 = arith.cmpi ne, %convert_element_type3A, %cond3A : i32
    scf.if %cond3A_1 {
      %get3A_56 = arith.constant 0 : index
      %get3A_57 = arith.constant 0 : index
      %get3A_58 = vector.load %arg3[%get3A_56, %get3A_57] : memref<1x1xf32, #tpu.memory_space<vmem>>, vector<1x1xf32>
      %get3A_59 = arith.constant 0 : index
      %get3A_60 = arith.constant 0 : index
      %get3A_61 = vector.load %arg1[%get3A_59, %get3A_60] : memref<16x16xf32, #tpu.memory_space<vmem>>, vector<16x16xf32>
      %div3A_62 = vector.broadcast %get3A_58 : vector<1x1xf32> to vector<16x16xf32>
      %div3A_63 = arith.divf %get3A_61, %div3A_62 : vector<16x16xf32>
      %get3A_64 = arith.constant 0 : index
      %get3A_65 = arith.constant 0 : index
      %get3A_66 = vector.load %arg2[%get3A_64, %get3A_65] : memref<16x16xf32, #tpu.memory_space<vmem>>, vector<16x16xf32>
      %div3A_67 = vector.broadcast %get3A_58 : vector<1x1xf32> to vector<16x16xf32>
      %div3A_68 = arith.divf %get3A_66, %div3A_67 : vector<16x16xf32>
      %mul3A_69 = arith.constant 3.000000e+00 : f32
      %mul3A_70 = vector.broadcast %mul3A_69 : f32 to vector<16x16xf32>
      %mul3A_71 = arith.mulf %mul3A_70, %div3A_63 : vector<16x16xf32>
      %mul3A_72 = arith.constant 3.000000e+00 : f32
      %mul3A_73 = vector.broadcast %mul3A_72 : f32 to vector<16x16xf32>
      %mul3A_74 = arith.mulf %mul3A_73, %div3A_63 : vector<16x16xf32>
      %reduce_max3A = arith.constant dense<0xFF800000> : vector<16xf32>
      %reduce_max3A_75 = vector.multi_reduction <maximumf>, %mul3A_74, %reduce_max3A [0] : vector<16x16xf32> to vector<16xf32>
      %broadcast_in_dim3A_76 = vector.shape_cast %reduce_max3A_75 : vector<16xf32> to vector<1x16xf32>
      %sub3A = vector.broadcast %broadcast_in_dim3A_76 : vector<1x16xf32> to vector<16x16xf32>
      %sub3A_77 = arith.subf %mul3A_71, %sub3A : vector<16x16xf32>
      %exp3A = math.exp %sub3A_77 : vector<16x16xf32>
      %reduce_sum3A_78 = arith.constant dense<0.000000e+00> : vector<16xf32>
      %reduce_sum3A_79 = vector.multi_reduction <add>, %exp3A, %reduce_sum3A_78 [0] : vector<16x16xf32> to vector<16xf32>
      %broadcast_in_dim3A_80 = vector.shape_cast %reduce_sum3A_79 : vector<16xf32> to vector<1x16xf32>
      %div3A_81 = vector.broadcast %broadcast_in_dim3A_80 : vector<1x16xf32> to vector<16x16xf32>
      %div3A_82 = arith.divf %exp3A, %div3A_81 : vector<16x16xf32>
      %mul3A_83 = arith.constant 3.000000e+00 : f32
      %mul3A_84 = vector.broadcast %mul3A_83 : f32 to vector<16x16xf32>
      %mul3A_85 = arith.mulf %mul3A_84, %div3A_68 : vector<16x16xf32>
      %mul3A_86 = arith.constant 3.000000e+00 : f32
      %mul3A_87 = vector.broadcast %mul3A_86 : f32 to vector<16x16xf32>
      %mul3A_88 = arith.mulf %mul3A_87, %div3A_68 : vector<16x16xf32>
      %reduce_max3A_89 = arith.constant dense<0xFF800000> : vector<16xf32>
      %reduce_max3A_90 = vector.multi_reduction <maximumf>, %mul3A_88, %reduce_max3A_89 [1] : vector<16x16xf32> to vector<16xf32>
      %broadcast_in_dim3A_91 = vector.shape_cast %reduce_max3A_90 : vector<16xf32> to vector<16x1xf32>
      %sub3A_92 = vector.broadcast %broadcast_in_dim3A_91 : vector<16x1xf32> to vector<16x16xf32>
      %sub3A_93 = arith.subf %mul3A_85, %sub3A_92 : vector<16x16xf32>
      %exp3A_94 = math.exp %sub3A_93 : vector<16x16xf32>
      %reduce_sum3A_95 = arith.constant dense<0.000000e+00> : vector<16xf32>
      %reduce_sum3A_96 = vector.multi_reduction <add>, %exp3A_94, %reduce_sum3A_95 [1] : vector<16x16xf32> to vector<16xf32>
      %broadcast_in_dim3A_97 = vector.shape_cast %reduce_sum3A_96 : vector<16xf32> to vector<16x1xf32>
      %div3A_98 = vector.broadcast %broadcast_in_dim3A_97 : vector<16x1xf32> to vector<16x16xf32>
      %div3A_99 = arith.divf %exp3A_94, %div3A_98 : vector<16x16xf32>
      %swap3A_100 = arith.constant 0 : index
      %swap3A_101 = arith.constant 0 : index
      %swap3A_102 = vector.load %arg19[%swap3A_100, %swap3A_101] : memref<16x16xf32, #tpu.memory_space<vmem>>, vector<16x16xf32>
      tpu.vector_store %arg19[%swap3A_100, %swap3A_101], %div3A_82 {strides = array<i32>} : memref<16x16xf32, #tpu.memory_space<vmem>>, vector<16x16xf32>,
      %swap3A_103 = arith.constant 0 : index
      %swap3A_104 = arith.constant 0 : index
      %swap3A_105 = vector.load %arg20[%swap3A_103, %swap3A_104] : memref<16x16xf32, #tpu.memory_space<vmem>>, vector<16x16xf32>
      tpu.vector_store %arg20[%swap3A_103, %swap3A_104], %div3A_99 {strides = array<i32>} : memref<16x16xf32, #tpu.memory_space<vmem>>, vector<16x16xf32>,
      %swap3A_106 = arith.constant 0 : index
      %swap3A_107 = arith.constant 0 : index
      %swap3A_108 = vector.load %arg17[%swap3A_106, %swap3A_107] : memref<16x16xf32, #tpu.memory_space<vmem>>, vector<16x16xf32>
      tpu.vector_store %arg17[%swap3A_106, %swap3A_107], %div3A_82 {strides = array<i32>} : memref<16x16xf32, #tpu.memory_space<vmem>>, vector<16x16xf32>,
      %swap3A_109 = arith.constant 0 : index
      %swap3A_110 = arith.constant 0 : index
      %swap3A_111 = vector.load %arg18[%swap3A_109, %swap3A_110] : memref<16x16xf32, #tpu.memory_space<vmem>>, vector<16x16xf32>
      tpu.vector_store %arg18[%swap3A_109, %swap3A_110], %div3A_99 {strides = array<i32>} : memref<16x16xf32, #tpu.memory_space<vmem>>, vector<16x16xf32>,
      %swap3A_112 = arith.constant 0 : index
      %swap3A_113 = arith.constant 0 : index
      %swap3A_114 = vector.load %arg15[%swap3A_112, %swap3A_113] : memref<16x16xf32, #tpu.memory_space<vmem>>, vector<16x16xf32>
      tpu.vector_store %arg15[%swap3A_112, %swap3A_113], %div3A_63 {strides = array<i32>} : memref<16x16xf32, #tpu.memory_space<vmem>>, vector<16x16xf32>,
      %swap3A_115 = arith.constant 0 : index
      %swap3A_116 = arith.constant 0 : index
      %swap3A_117 = vector.load %arg16[%swap3A_115, %swap3A_116] : memref<16x16xf32, #tpu.memory_space<vmem>>, vector<16x16xf32>
      tpu.vector_store %arg16[%swap3A_115, %swap3A_116], %div3A_68 {strides = array<i32>} : memref<16x16xf32, #tpu.memory_space<vmem>>, vector<16x16xf32>,
      %broadcast_in_dim3A_118 = arith.constant 0.000000e+00 : f32
      %broadcast_in_dim3A_119 = vector.broadcast %broadcast_in_dim3A_118 : f32 to vector<1x16xf32>
      %swap3A_120 = arith.constant 0 : index
      %swap3A_121 = arith.constant 0 : index
      %swap3A_122 = vector.load %arg21[%swap3A_120, %swap3A_121] : memref<1x16xf32, #tpu.memory_space<vmem>>, vector<1x16xf32>
      tpu.vector_store %arg21[%swap3A_120, %swap3A_121], %broadcast_in_dim3A_119 {strides = array<i32>} : memref<1x16xf32, #tpu.memory_space<vmem>>, vector<1x16xf32>,
    } else {
    }
    %get3A = arith.constant 0 : index
    %get3A_2 = arith.constant 0 : index
    %get3A_3 = vector.load %arg3[%get3A, %get3A_2] : memref<1x1xf32, #tpu.memory_space<vmem>>, vector<1x1xf32>
    %get3A_4 = arith.constant 0 : index
    %get3A_5 = arith.constant 0 : index
    %get3A_6 = vector.load %arg5[%get3A_4, %get3A_5] : memref<2000x16xf32, #tpu.memory_space<vmem>>, vector<2000x16xf32>
    %get3A_7 = arith.constant 0 : index
    %get3A_8 = arith.constant 0 : index
    %get3A_9 = vector.load %arg6[%get3A_7, %get3A_8] : memref<2000x16xf32, #tpu.memory_space<vmem>>, vector<2000x16xf32>
    %get3A_10 = arith.constant 0 : index
    %get3A_11 = arith.constant 0 : index
    %get3A_12 = vector.load %arg7[%get3A_10, %get3A_11] : memref<2000x16xf32, #tpu.memory_space<vmem>>, vector<2000x16xf32>
    %reduce_sum3A = arith.constant dense<0.000000e+00> : vector<2000xf32>
    %reduce_sum3A_13 = vector.multi_reduction <add>, %get3A_6, %reduce_sum3A [1] : vector<2000x16xf32> to vector<2000xf32>
    %broadcast_in_dim3A = vector.shape_cast %reduce_sum3A_13 : vector<2000xf32> to vector<2000x1xf32>
    %reduce_sum3A_14 = arith.constant dense<0.000000e+00> : vector<2000xf32>
    %reduce_sum3A_15 = vector.multi_reduction <add>, %get3A_9, %reduce_sum3A_14 [1] : vector<2000x16xf32> to vector<2000xf32>
    %broadcast_in_dim3A_16 = vector.shape_cast %reduce_sum3A_15 : vector<2000xf32> to vector<2000x1xf32>
    %gt3A = arith.constant 0.000000e+00 : f32
    %gt3A_17 = vector.broadcast %gt3A : f32 to vector<2000x1xf32>
    %gt3A_18 = arith.cmpf ogt, %broadcast_in_dim3A, %gt3A_17 : vector<2000x1xf32>
    %gt3A_19 = arith.constant 0.000000e+00 : f32
    %gt3A_20 = vector.broadcast %gt3A_19 : f32 to vector<2000x1xf32>
    %gt3A_21 = arith.cmpf ogt, %broadcast_in_dim3A_16, %gt3A_20 : vector<2000x1xf32>
    %and3A = arith.andi %gt3A_18, %gt3A_21 : vector<2000x1xi1>
    %mul3A = arith.mulf %broadcast_in_dim3A, %broadcast_in_dim3A_16 : vector<2000x1xf32>
    %add3A = arith.constant 9.99999971E-10 : f32
    %add3A_22 = vector.broadcast %add3A : f32 to vector<2000x1xf32>
    %add3A_23 = arith.addf %mul3A, %add3A_22 : vector<2000x1xf32>
    %div3A = arith.constant 1.000000e+00 : f32
    %div3A_24 = vector.broadcast %div3A : f32 to vector<2000x1xf32>
    %div3A_25 = arith.divf %div3A_24, %add3A_23 : vector<2000x1xf32>
    %jit3A = arith.constant 0.000000e+00 : f32
    %broadcast_in_dim3A_26 = vector.broadcast %jit3A : f32 to vector<2000x1xf32>
    %select_n3A = arith.select %and3A, %div3A_25, %broadcast_in_dim3A_26 : vector<2000x1xi1>, vector<2000x1xf32>
    %mul3A_27 = vector.broadcast %select_n3A : vector<2000x1xf32> to vector<2000x16xf32>
    %mul3A_28 = arith.mulf %get3A_6, %mul3A_27 : vector<2000x16xf32>
    %mul3A_29 = vector.broadcast %select_n3A : vector<2000x1xf32> to vector<2000x16xf32>
    %mul3A_30 = arith.mulf %get3A_9, %mul3A_29 : vector<2000x16xf32>
    %get3A_31 = arith.constant 0 : index
    %get3A_32 = arith.constant 0 : index
    %get3A_33 = vector.load %arg19[%get3A_31, %get3A_32] : memref<16x16xf32, #tpu.memory_space<vmem>>, vector<16x16xf32>
    %dot_general3A = arith.constant dense<0.000000e+00> : vector<2000x16xf32>
    %dot_general3A_34 = tpu.matmul %mul3A_28, %get3A_33, %dot_general3A {dimension_numbers = #tpu.dot_dimension_numbers<[1], [0], [0], [1], [0, 0, 1, 1], [], []>, transpose_lhs_hint = false} : vector<2000x16xf32>, vector<16x16xf32>, vector<2000x16xf32> -> vector<2000x16xf32>
    %get3A_35 = arith.constant 0 : index
    %get3A_36 = arith.constant 0 : index
    %get3A_37 = vector.load %arg20[%get3A_35, %get3A_36] : memref<16x16xf32, #tpu.memory_space<vmem>>, vector<16x16xf32>
    %dot_general3A_38 = arith.constant dense<0.000000e+00> : vector<2000x16xf32>
    %dot_general3A_39 = tpu.matmul %mul3A_30, %get3A_37, %dot_general3A_38 {dimension_numbers = #tpu.dot_dimension_numbers<[1], [1], [0], [0], [0, 0, 1, 0], [], []>, transpose_lhs_hint = false} : vector<2000x16xf32>, vector<16x16xf32>, vector<2000x16xf32> -> vector<2000x16xf32>
    %get3A_40 = arith.constant 0 : index
    %get3A_41 = arith.constant 0 : index
    %get3A_42 = vector.load %arg21[%get3A_40, %get3A_41] : memref<1x16xf32, #tpu.memory_space<vmem>>, vector<1x16xf32>
    %mul3A_43 = arith.mulf %dot_general3A_34, %get3A_12 : vector<2000x16xf32>
    %mul3A_44 = arith.mulf %mul3A_43, %dot_general3A_39 : vector<2000x16xf32>
    %reduce_sum3A_45 = arith.constant dense<0.000000e+00> : vector<16xf32>
    %reduce_sum3A_46 = vector.multi_reduction <add>, %mul3A_44, %reduce_sum3A_45 [0] : vector<2000x16xf32> to vector<16xf32>
    %broadcast_in_dim3A_47 = vector.shape_cast %reduce_sum3A_46 : vector<16xf32> to vector<1x16xf32>
    %add3A_48 = arith.addf %get3A_42, %broadcast_in_dim3A_47 : vector<1x16xf32>
    %swap3A = arith.constant 0 : index
    %swap3A_49 = arith.constant 0 : index
    %swap3A_50 = vector.load %arg21[%swap3A, %swap3A_49] : memref<1x16xf32, #tpu.memory_space<vmem>>, vector<1x16xf32>
    tpu.vector_store %arg21[%swap3A, %swap3A_49], %add3A_48 {strides = array<i32>} : memref<1x16xf32, #tpu.memory_space<vmem>>, vector<1x16xf32>,
    %eq3A_51 = arith.constant 24 : i32
    %eq3A_52 = arith.cmpi eq, %arg0, %eq3A_51 : i32
    %convert_element_type3A_53 = arith.extui %eq3A_52 : i1 to i32
    %cond3A_54 = arith.constant 0 : i32
    %cond3A_55 = arith.cmpi ne, %convert_element_type3A_53, %cond3A_54 : i32
    scf.if %cond3A_55 {
      %get3A_56 = arith.constant 0 : index
      %get3A_57 = arith.constant 0 : index
      %get3A_58 = vector.load %arg1[%get3A_56, %get3A_57] : memref<16x16xf32, #tpu.memory_space<vmem>>, vector<16x16xf32>
      %div3A_59 = vector.broadcast %get3A_3 : vector<1x1xf32> to vector<16x16xf32>
      %div3A_60 = arith.divf %get3A_58, %div3A_59 : vector<16x16xf32>
      %get3A_61 = arith.constant 0 : index
      %get3A_62 = arith.constant 0 : index
      %get3A_63 = vector.load %arg2[%get3A_61, %get3A_62] : memref<16x16xf32, #tpu.memory_space<vmem>>, vector<16x16xf32>
      %div3A_64 = vector.broadcast %get3A_3 : vector<1x1xf32> to vector<16x16xf32>
      %div3A_65 = arith.divf %get3A_63, %div3A_64 : vector<16x16xf32>
      %broadcast_in_dim3A_66 = arith.constant 1.000000e+00 : f32
      %broadcast_in_dim3A_67 = vector.broadcast %broadcast_in_dim3A_66 : f32 to vector<1x16xf32>
      %dot_general3A_68 = arith.constant dense<0.000000e+00> : vector<1x16xf32>
      %dot_general3A_69 = tpu.matmul %broadcast_in_dim3A_67, %div3A_60, %dot_general3A_68 {dimension_numbers = #tpu.dot_dimension_numbers<[1], [1], [0], [0], [0, 0, 1, 0], [], []>, transpose_lhs_hint = false} : vector<1x16xf32>, vector<16x16xf32>, vector<1x16xf32> -> vector<1x16xf32>
      %reduce_sum3A_70 = arith.constant dense<0.000000e+00> : vector<16xf32>
      %reduce_sum3A_71 = vector.multi_reduction <add>, %div3A_60, %reduce_sum3A_70 [0] : vector<16x16xf32> to vector<16xf32>
      %broadcast_in_dim3A_72 = vector.shape_cast %reduce_sum3A_71 : vector<16xf32> to vector<1x16xf32>
      %reduce_sum3A_73 = arith.constant dense<0.000000e+00> : vector<16xf32>
      %reduce_sum3A_74 = vector.multi_reduction <add>, %div3A_65, %reduce_sum3A_73 [0] : vector<16x16xf32> to vector<16xf32>
      %broadcast_in_dim3A_75 = vector.shape_cast %reduce_sum3A_74 : vector<16xf32> to vector<1x16xf32>
      %swap3A_76 = arith.constant 0 : index
      %swap3A_77 = arith.constant 0 : index
      %swap3A_78 = vector.load %arg12[%swap3A_76, %swap3A_77] : memref<1x16xf32, #tpu.memory_space<vmem>>, vector<1x16xf32>
      tpu.vector_store %arg12[%swap3A_76, %swap3A_77], %dot_general3A_69 {strides = array<i32>} : memref<1x16xf32, #tpu.memory_space<vmem>>, vector<1x16xf32>,
      %swap3A_79 = arith.constant 0 : index
      %swap3A_80 = arith.constant 0 : index
      %swap3A_81 = vector.load %arg13[%swap3A_79, %swap3A_80] : memref<1x16xf32, #tpu.memory_space<vmem>>, vector<1x16xf32>
      tpu.vector_store %arg13[%swap3A_79, %swap3A_80], %broadcast_in_dim3A_72 {strides = array<i32>} : memref<1x16xf32, #tpu.memory_space<vmem>>, vector<1x16xf32>,
      %swap3A_82 = arith.constant 0 : index
      %swap3A_83 = arith.constant 0 : index
      %swap3A_84 = vector.load %arg14[%swap3A_82, %swap3A_83] : memref<1x16xf32, #tpu.memory_space<vmem>>, vector<1x16xf32>
      tpu.vector_store %arg14[%swap3A_82, %swap3A_83], %broadcast_in_dim3A_75 {strides = array<i32>} : memref<1x16xf32, #tpu.memory_space<vmem>>, vector<1x16xf32>,
      %get3A_85 = arith.constant 0 : index
      %get3A_86 = arith.constant 0 : index
      %get3A_87 = vector.load %arg19[%get3A_85, %get3A_86] : memref<16x16xf32, #tpu.memory_space<vmem>>, vector<16x16xf32>
      %dot_general3A_88 = arith.constant dense<0.000000e+00> : vector<1x16xf32>
      %dot_general3A_89 = tpu.matmul %dot_general3A_69, %get3A_87, %dot_general3A_88 {dimension_numbers = #tpu.dot_dimension_numbers<[1], [0], [0], [1], [0, 0, 1, 1], [], []>, transpose_lhs_hint = false} : vector<1x16xf32>, vector<16x16xf32>, vector<1x16xf32> -> vector<1x16xf32>
      %get3A_90 = arith.constant 0 : index
      %get3A_91 = arith.constant 0 : index
      %get3A_92 = vector.load %arg20[%get3A_90, %get3A_91] : memref<16x16xf32, #tpu.memory_space<vmem>>, vector<16x16xf32>
      %dot_general3A_93 = arith.constant dense<0.000000e+00> : vector<1x16xf32>
      %dot_general3A_94 = tpu.matmul %broadcast_in_dim3A_75, %get3A_92, %dot_general3A_93 {dimension_numbers = #tpu.dot_dimension_numbers<[1], [1], [0], [0], [0, 0, 1, 0], [], []>, transpose_lhs_hint = false} : vector<1x16xf32>, vector<16x16xf32>, vector<1x16xf32> -> vector<1x16xf32>
      %mul3A_95 = arith.mulf %dot_general3A_89, %broadcast_in_dim3A_72 : vector<1x16xf32>
      %mul3A_96 = arith.mulf %mul3A_95, %dot_general3A_94 : vector<1x16xf32>
      %reduce_sum3A_97 = arith.constant dense<0.000000e+00> : vector<1xf32>
      %reduce_sum3A_98 = vector.multi_reduction <add>, %mul3A_96, %reduce_sum3A_97 [1] : vector<1x16xf32> to vector<1xf32>
      %broadcast_in_dim3A_99 = vector.shape_cast %reduce_sum3A_98 : vector<1xf32> to vector<1x1xf32>
      %div3A_100 = arith.divf %broadcast_in_dim3A_99, %get3A_3 : vector<1x1xf32>
      %get3A_101 = arith.constant 0 : index
      %get3A_102 = arith.constant 0 : index
      %get3A_103 = vector.load %arg21[%get3A_101, %get3A_102] : memref<1x16xf32, #tpu.memory_space<vmem>>, vector<1x16xf32>
      %reduce_sum3A_104 = arith.constant dense<0.000000e+00> : vector<1xf32>
      %reduce_sum3A_105 = vector.multi_reduction <add>, %get3A_103, %reduce_sum3A_104 [1] : vector<1x16xf32> to vector<1xf32>
      %broadcast_in_dim3A_106 = vector.shape_cast %reduce_sum3A_105 : vector<1xf32> to vector<1x1xf32>
      %div3A_107 = arith.divf %broadcast_in_dim3A_106, %get3A_3 : vector<1x1xf32>
      %mul3A_108 = arith.constant 1.000000e+00 : f32
      %mul3A_109 = vector.broadcast %mul3A_108 : f32 to vector<1x1xf32>
      %mul3A_110 = arith.mulf %mul3A_109, %div3A_100 : vector<1x1xf32>
      %sub3A = arith.subf %div3A_107, %mul3A_110 : vector<1x1xf32>
      %get3A_111 = arith.constant 0 : index
      %get3A_112 = arith.constant 0 : index
      %get3A_113 = vector.load %arg4[%get3A_111, %get3A_112] : memref<8x16xf32, #tpu.memory_space<vmem>>, vector<8x16xf32>
      %broadcast_in_dim3A_114 = arith.constant 0.000000e+00 : f32
      %broadcast_in_dim3A_115 = vector.broadcast %broadcast_in_dim3A_114 : f32 to vector<1x1xf32>
      %slice3A = vector.extract_strided_slice %get3A_113 {offsets = [0, 0], sizes = [1, 16], strides = [1, 1]} : vector<8x16xf32> to vector<1x16xf32>
      %mul3A_116 = arith.mulf %slice3A, %slice3A : vector<1x16xf32>
      %reduce_sum3A_117 = arith.constant dense<0.000000e+00> : vector<1xf32>
      %reduce_sum3A_118 = vector.multi_reduction <add>, %mul3A_116, %reduce_sum3A_117 [1] : vector<1x16xf32> to vector<1xf32>
      %broadcast_in_dim3A_119 = vector.shape_cast %reduce_sum3A_118 : vector<1xf32> to vector<1x1xf32>
      %sqrt3A = math.sqrt %broadcast_in_dim3A_119 : vector<1x1xf32>
      %mul3A_120 = arith.constant 8.000000e-05 : f32
      %mul3A_121 = vector.broadcast %mul3A_120 : f32 to vector<1x1xf32>
      %mul3A_122 = arith.mulf %mul3A_121, %sqrt3A : vector<1x1xf32>
      %sub3A_123 = arith.constant 1.000000e+00 : f32
      %sub3A_124 = vector.broadcast %sub3A_123 : f32 to vector<1x1xf32>
      %sub3A_125 = arith.subf %mul3A_122, %sub3A_124 : vector<1x1xf32>
      %mul3A_126 = arith.constant 9.99999974E-5 : f32
      %mul3A_127 = vector.broadcast %mul3A_126 : f32 to vector<1x1xf32>
      %mul3A_128 = arith.mulf %mul3A_127, %sub3A_125 : vector<1x1xf32>
      %add3A_129 = arith.addf %broadcast_in_dim3A_115, %mul3A_128 : vector<1x1xf32>
      %slice3A_130 = vector.extract_strided_slice %get3A_113 {offsets = [1, 0], sizes = [1, 16], strides = [1, 1]} : vector<8x16xf32> to vector<1x16xf32>
      %mul3A_131 = arith.mulf %slice3A_130, %slice3A_130 : vector<1x16xf32>
      %reduce_sum3A_132 = arith.constant dense<0.000000e+00> : vector<1xf32>
      %reduce_sum3A_133 = vector.multi_reduction <add>, %mul3A_131, %reduce_sum3A_132 [1] : vector<1x16xf32> to vector<1xf32>
      %broadcast_in_dim3A_134 = vector.shape_cast %reduce_sum3A_133 : vector<1xf32> to vector<1x1xf32>
      %sqrt3A_135 = math.sqrt %broadcast_in_dim3A_134 : vector<1x1xf32>
      %mul3A_136 = arith.constant 8.000000e-05 : f32
      %mul3A_137 = vector.broadcast %mul3A_136 : f32 to vector<1x1xf32>
      %mul3A_138 = arith.mulf %mul3A_137, %sqrt3A_135 : vector<1x1xf32>
      %sub3A_139 = arith.constant 1.000000e+00 : f32
      %sub3A_140 = vector.broadcast %sub3A_139 : f32 to vector<1x1xf32>
      %sub3A_141 = arith.subf %mul3A_138, %sub3A_140 : vector<1x1xf32>
      %mul3A_142 = arith.constant 9.99999974E-5 : f32
      %mul3A_143 = vector.broadcast %mul3A_142 : f32 to vector<1x1xf32>
      %mul3A_144 = arith.mulf %mul3A_143, %sub3A_141 : vector<1x1xf32>
      %add3A_145 = arith.addf %add3A_129, %mul3A_144 : vector<1x1xf32>
      %slice3A_146 = vector.extract_strided_slice %get3A_113 {offsets = [2, 0], sizes = [1, 16], strides = [1, 1]} : vector<8x16xf32> to vector<1x16xf32>
      %mul3A_147 = arith.mulf %slice3A_146, %slice3A_146 : vector<1x16xf32>
      %reduce_sum3A_148 = arith.constant dense<0.000000e+00> : vector<1xf32>
      %reduce_sum3A_149 = vector.multi_reduction <add>, %mul3A_147, %reduce_sum3A_148 [1] : vector<1x16xf32> to vector<1xf32>
      %broadcast_in_dim3A_150 = vector.shape_cast %reduce_sum3A_149 : vector<1xf32> to vector<1x1xf32>
      %sqrt3A_151 = math.sqrt %broadcast_in_dim3A_150 : vector<1x1xf32>
      %mul3A_152 = arith.constant 8.000000e-05 : f32
      %mul3A_153 = vector.broadcast %mul3A_152 : f32 to vector<1x1xf32>
      %mul3A_154 = arith.mulf %mul3A_153, %sqrt3A_151 : vector<1x1xf32>
      %sub3A_155 = arith.constant 1.000000e+00 : f32
      %sub3A_156 = vector.broadcast %sub3A_155 : f32 to vector<1x1xf32>
      %sub3A_157 = arith.subf %mul3A_154, %sub3A_156 : vector<1x1xf32>
      %mul3A_158 = arith.constant 9.99999974E-5 : f32
      %mul3A_159 = vector.broadcast %mul3A_158 : f32 to vector<1x1xf32>
      %mul3A_160 = arith.mulf %mul3A_159, %sub3A_157 : vector<1x1xf32>
      %add3A_161 = arith.addf %add3A_145, %mul3A_160 : vector<1x1xf32>
      %slice3A_162 = vector.extract_strided_slice %get3A_113 {offsets = [3, 0], sizes = [3, 16], strides = [1, 1]} : vector<8x16xf32> to vector<3x16xf32>
      %reduce_sum3A_163 = vector.shape_cast %slice3A_162 : vector<3x16xf32> to vector<1x3x16xf32>
      %reduce_sum3A_164 = arith.constant dense<0.000000e+00> : vector<1xf32>
      %reduce_sum3A_165 = vector.multi_reduction <add>, %reduce_sum3A_163, %reduce_sum3A_164 [1, 2] : vector<1x3x16xf32> to vector<1xf32>
      %reduce_sum3A_166 = vector.shape_cast %reduce_sum3A_165 : vector<1xf32> to vector<1x1x1xf32>
      %reduce_sum3A_167 = vector.extract %reduce_sum3A_166[0, 0, 0] : f32 from vector<1x1x1xf32>
      %broadcast_in_dim3A_168 = vector.broadcast %reduce_sum3A_167 : f32 to vector<1x1xf32>
      %mul3A_169 = arith.constant 1.000000e-03 : f32
      %mul3A_170 = vector.broadcast %mul3A_169 : f32 to vector<1x1xf32>
      %mul3A_171 = arith.mulf %mul3A_170, %broadcast_in_dim3A_168 : vector<1x1xf32>
      %div3A_172 = arith.constant 5.000000e+04 : f32
      %div3A_173 = vector.broadcast %div3A_172 : f32 to vector<1x1xf32>
      %div3A_174 = arith.divf %mul3A_171, %div3A_173 : vector<1x1xf32>
      %neg3A = arith.constant 0.000000e+00 : f32
      %neg3A_175 = vector.broadcast %neg3A : f32 to vector<1x1xf32>
      %neg3A_176 = arith.subf %neg3A_175, %sub3A : vector<1x1xf32>
      %add3A_177 = arith.addf %neg3A_176, %add3A_161 : vector<1x1xf32>
      %add3A_178 = arith.addf %add3A_177, %div3A_174 : vector<1x1xf32>
      %swap3A_179 = arith.constant 0 : index
      %swap3A_180 = arith.constant 0 : index
      %swap3A_181 = vector.load %arg8[%swap3A_179, %swap3A_180] : memref<1x1xf32, #tpu.memory_space<vmem>>, vector<1x1xf32>
      tpu.vector_store %arg8[%swap3A_179, %swap3A_180], %add3A_178 {strides = array<i32>} : memref<1x1xf32, #tpu.memory_space<vmem>>, vector<1x1xf32>,
      %swap3A_182 = arith.constant 0 : index
      %swap3A_183 = arith.constant 0 : index
      %swap3A_184 = vector.load %arg9[%swap3A_182, %swap3A_183] : memref<1x1xf32, #tpu.memory_space<vmem>>, vector<1x1xf32>
      tpu.vector_store %arg9[%swap3A_182, %swap3A_183], %sub3A {strides = array<i32>} : memref<1x1xf32, #tpu.memory_space<vmem>>, vector<1x1xf32>,
      %swap3A_185 = arith.constant 0 : index
      %swap3A_186 = arith.constant 0 : index
      %swap3A_187 = vector.load %arg10[%swap3A_185, %swap3A_186] : memref<1x1xf32, #tpu.memory_space<vmem>>, vector<1x1xf32>
      tpu.vector_store %arg10[%swap3A_185, %swap3A_186], %div3A_107 {strides = array<i32>} : memref<1x1xf32, #tpu.memory_space<vmem>>, vector<1x1xf32>,
      %swap3A_188 = arith.constant 0 : index
      %swap3A_189 = arith.constant 0 : index
      %swap3A_190 = vector.load %arg11[%swap3A_188, %swap3A_189] : memref<1x1xf32, #tpu.memory_space<vmem>>, vector<1x1xf32>
      tpu.vector_store %arg11[%swap3A_188, %swap3A_189], %div3A_100 {strides = array<i32>} : memref<1x1xf32, #tpu.memory_space<vmem>>, vector<1x1xf32>,
    } else {
    }
    return
  }
  func.func @transform_0(%arg0: i32) -> (i32, i32) {
    %c0_i32 = arith.constant 0 : i32
    %c0_i32_0 = arith.constant 0 : i32
    %c0_i32_1 = arith.constant 0 : i32
    return %c0_i32, %c0_i32_0 : i32, i32
  }
  func.func @transform_1(%arg0: i32) -> (i32, i32) {
    %c0_i32 = arith.constant 0 : i32
    %c0_i32_0 = arith.constant 0 : i32
    %c0_i32_1 = arith.constant 0 : i32
    return %c0_i32, %c0_i32_0 : i32, i32
  }
  func.func @transform_2(%arg0: i32) -> (i32, i32) {
    %c0_i32 = arith.constant 0 : i32
    %c0_i32_0 = arith.constant 0 : i32
    %c0_i32_1 = arith.constant 0 : i32
    return %c0_i32, %c0_i32_0 : i32, i32
  }
  func.func @transform_3(%arg0: i32) -> (i32, i32) {
    %c0_i32 = arith.constant 0 : i32
    %c0_i32_0 = arith.constant 0 : i32
    %c0_i32_1 = arith.constant 0 : i32
    return %c0_i32, %c0_i32_0 : i32, i32
  }
  func.func @transform_4(%arg0: i32) -> (i32, i32) {
    %c0_i32 = arith.constant 0 : i32
    %c0_i32_0 = arith.constant 0 : i32
    return %arg0, %c0_i32 : i32, i32
  }
  func.func @transform_5(%arg0: i32) -> (i32, i32) {
    %c0_i32 = arith.constant 0 : i32
    %c0_i32_0 = arith.constant 0 : i32
    return %arg0, %c0_i32 : i32, i32
  }
  func.func @transform_6(%arg0: i32) -> (i32, i32) {
    %c0_i32 = arith.constant 0 : i32
    %c0_i32_0 = arith.constant 0 : i32
    return %arg0, %c0_i32 : i32, i32
  }
  func.func @transform_7(%arg0: i32) -> (i32, i32) {
    %c0_i32 = arith.constant 0 : i32
    %c0_i32_0 = arith.constant 0 : i32
    %c0_i32_1 = arith.constant 0 : i32
    return %c0_i32, %c0_i32_0 : i32, i32
  }
  func.func @transform_8(%arg0: i32) -> (i32, i32) {
    %c0_i32 = arith.constant 0 : i32
    %c0_i32_0 = arith.constant 0 : i32
    %c0_i32_1 = arith.constant 0 : i32
    return %c0_i32, %c0_i32_0 : i32, i32
  }
  func.func @transform_9(%arg0: i32) -> (i32, i32) {
    %c0_i32 = arith.constant 0 : i32
    %c0_i32_0 = arith.constant 0 : i32
    %c0_i32_1 = arith.constant 0 : i32
    return %c0_i32, %c0_i32_0 : i32, i32
  }
  func.func @transform_10(%arg0: i32) -> (i32, i32) {
    %c0_i32 = arith.constant 0 : i32
    %c0_i32_0 = arith.constant 0 : i32
    %c0_i32_1 = arith.constant 0 : i32
    return %c0_i32, %c0_i32_0 : i32, i32
  }
  func.func @transform_11(%arg0: i32) -> (i32, i32) {
    %c0_i32 = arith.constant 0 : i32
    %c0_i32_0 = arith.constant 0 : i32
    %c0_i32_1 = arith.constant 0 : i32
    return %c0_i32, %c0_i32_0 : i32, i32
  }
  func.func @transform_12(%arg0: i32) -> (i32, i32) {
    %c0_i32 = arith.constant 0 : i32
    %c0_i32_0 = arith.constant 0 : i32
    %c0_i32_1 = arith.constant 0 : i32
    return %c0_i32, %c0_i32_0 : i32, i32
  }
  func.func @transform_13(%arg0: i32) -> (i32, i32) {
    %c0_i32 = arith.constant 0 : i32
    %c0_i32_0 = arith.constant 0 : i32
    %c0_i32_1 = arith.constant 0 : i32
    return %c0_i32, %c0_i32_0 : i32, i32
  }
  func.func @transform_14(%arg0: i32) -> (i32, i32) {
    %c0_i32 = arith.constant 0 : i32
    %c0_i32_0 = arith.constant 0 : i32
    %c0_i32_1 = arith.constant 0 : i32
    return %c0_i32, %c0_i32_0 : i32, i32
  }
  func.func @transform_15(%arg0: i32) -> (i32, i32) {
    %c0_i32 = arith.constant 0 : i32
    %c0_i32_0 = arith.constant 0 : i32
    %c0_i32_1 = arith.constant 0 : i32
    return %c0_i32, %c0_i32_0 : i32, i32
  }
  func.func @transform_16(%arg0: i32) -> (i32, i32) {
    %c0_i32 = arith.constant 0 : i32
    %c0_i32_0 = arith.constant 0 : i32
    %c0_i32_1 = arith.constant 0 : i32
    return %c0_i32, %c0_i32_0 : i32, i32
  }
  func.func @transform_17(%arg0: i32) -> (i32, i32) {
    %c0_i32 = arith.constant 0 : i32
    %c0_i32_0 = arith.constant 0 : i32
    %c0_i32_1 = arith.constant 0 : i32
    return %c0_i32, %c0_i32_0 : i32, i32
  }
}

</mosaic_0001>

<sc_bundles>
// kernel: kernel.6.cloned.1.call-start
scs
__scs_entry_jumppad:
0x0: {  	(pc) =	sbr.rel $0x88, $3  }
0x1: {  	(tag) =	ssettag $0x0;
	lr =	simm.s32 $0x1  }
0x2: {  	[smem:$0x3F9A] =	sst lr;
	_ =	strace $0xD0000000  }
0x3: {  	_ = 	snop  }
0x4: {  	_ = 	snop  }
0x5: {  	_ = 	snop  }
0x6: {  	_ = 	snop  }
0x7: {  	_ = 	snop  }
__scs_overlays_trampoline_lowered:
0x8: {  	[smem:$0x3FA9] =	sst s0  }
0x9: {  	[smem:$0x3FAA] =	sst s1  }
0xa: {  	[smem:$0x3FAB] =	sst s2  }
0xb: {  	[smem:$0x3FAC] =	sst s3  }
0xc: {  	[smem:$0x3FAD] =	sst s4  }
0xd: {  	[smem:$0x3FAE] =	sst s5  }
0xe: {  	[smem:$0x3FAF] =	sst s6  }
0xf: {  	[smem:$0x3FB0] =	sst s7  }
0x10: {  	[smem:$0x3FB1] =	sst s8  }
0x11: {  	[smem:$0x3FB2] =	sst s9;
	s0 =	simm.s32 @!p0 $0x0  }
0x12: {  	s1 =	sld [smem:$0x3F98];
	s0 =	simm.s32 @p0 $0x1  }
0x13: {  	[smem:$0x3FB3] =	sst s0;
	s0 =	simm.s32 @!p1 $0x0  }
0x14: {  	s2 =	sld [smem:$0x3F97];
	s0 =	simm.s32 @p1 $0x1  }
0x15: {  	[smem:$0x3FB4] =	sst s0;
	s0 =	simm.s32 @!p2 $0x0  }
0x16: {  	s3 =	sld [smem:$0x3FDB];
	s0 =	simm.s32 @p2 $0x1  }
0x17: {  	s4 =	simm.s32 $0x1BF5;
	[smem:$0x3FB6] =	sst s0  }
0x18: {  	s0 =	sld [smem:$0x3F99];
	_ =	swait.ge [sflag:s4], $0x0  }
0x19: {  	s7 =	sld [smem:$0x3F9A]  }
0x1a: {  	s8 =	sadd.s32 $0xFFFFE003, lr  }
0x1b: {  	s9 =	sadd.s32 $0xFFFFFEF7, lr;
	s5 =	simm.s32 $0xFFFFFFFF;
	p2 =	slt.u32 s8, $0xFFFFF086  }
0x1c: {  	p1 =	slt.u32 s9, $0xF7A;
	s5 =	simm.s32 @!p2 $0x0  }
0x1d: {  	s5 =	simm.s32 @p1 $0x1;
	p0 =	seq.s32 s7, s2  }
0x1e: {  	s7 =	smul.u32 @!p0 $0xF7A, s2;
	p2 =	seq.s32 @!p0 s5, $0x0  }
0x1f: {  	s9 =	smul.u32 $0xF7A, s1;
	s8 =	simm.s32 @!p0 $0x1BF5;
	p2 =	por !p2, p0  }
0x20: {  	[sflag:s8] =	ssyncset.s32 @!p0 $0xFFFFF086;
	s6 =	sadd.s32 @!p0 s3, s7;
	s7 =	simm.s32 @!p0 $0x108  }
0x21: {  	s3 =	sadd.s32 s3, s9;
	s6 =	sadd.s32 @!p0 $0x88, s6;
	s7 =	simm.s32 @p2 $0x1082  }
0x22: {  	[simem:s7], [sflag:s8] =	dma.local @!p0 [hbm:s6], $0xF7A  }
0x23: {  	s9 =	sor.u32 $0xD0000000, s2;
	s6 =	simm.s32 $0x108;
	_ =	swait.ge @!p0 [sflag:s8], $0x0  }
0x24: {  	s3 =	sadd.s32 $0x88, s3;
	s6 =	simm.s32 @!p1 $0x1082;
	[sflag:s4] =	ssyncset.s32 $0xFFFFF086  }
0x25: {  	[simem:s6], [sflag:s4] =	dma.local [hbm:s3], $0xF7A  }
0x26: {  	[smem:$0x3F9A] =	sst s1;
	(tag) =	ssettag s2;
	_ =	strace s9  }
0x27: {  	s1 =	sld [smem:$0x3FAA]  }
0x28: {  	s2 =	sld [smem:$0x3FAB]  }
0x29: {  	s4 =	sld [smem:$0x3FAD]  }
0x2a: {  	p0 =	seq.s32 s5, $0x0;
	s5 =	sld [smem:$0x3FAE]  }
0x2b: {  	s6 =	sld [smem:$0x3FAF]  }
0x2c: {  	s7 =	sld [smem:$0x3FB0]  }
0x2d: {  	s3 =	simm.s32 $0x108;
	s8 =	sld [smem:$0x3FB1]  }
0x2e: {  	s3 =	simm.s32 @!p0 $0x1082;
	s9 =	sld [smem:$0x3FB2]  }
0x2f: {  	lr =	sadd.s32 s0, s3;
	s0 =	sld [smem:$0x3FA9]  }
0x30: {  	s3 =	sld [smem:$0x3FAC]  }
0x31: {  	[smem:$0x3FB5] =	sst s10  }
0x32: {  	s10 =	sld [smem:$0x3FB3];
	_ =	sdelay $0x3  }
0x33: {  	p0 =	seq.s32 s10, $0x1;
	s10 =	sld [smem:$0x3FB5];
	_ =	sdelay $0x3  }
0x34: {  	[smem:$0x3FB5] =	sst s10  }
0x35: {  	s10 =	sld [smem:$0x3FB4];
	_ =	sdelay $0x3  }
0x36: {  	p1 =	seq.s32 s10, $0x1;
	s10 =	sld [smem:$0x3FB5];
	_ =	sdelay $0x3  }
0x37: {  	[smem:$0x3FB5] =	sst s10  }
0x38: {  	s10 =	sld [smem:$0x3FB6]  }
0x39: {  	_ = 	snop;
	(pc) =	sbr.ind lr, $3  }
0x3a: {  	_ = 	snop  }
0x3b: {  	_ = 	snop  }
0x3c: {  	p2 =	seq.s32 s10, $0x1;
	s10 =	sld [smem:$0x3FB5]  }
0x3d: {  	_ =	shalt  }
0x3e: {  	_ =	shalt  }
0x3f: {  	_ =	shalt  }
0x40: {  	_ =	shalt  }
0x41: {  	_ =	shalt  }
0x42: {  	_ =	shalt  }
0x43: {  	_ =	shalt  }
0x44: {  	_ =	shalt  }
0x45: {  	_ =	shalt  }
0x46: {  	_ =	shalt  }
0x47: {  	_ =	shalt  }
0x48: {  	_ =	shalt  }
0x49: {  	_ =	shalt  }
0x4a: {  	_ =	shalt  }
0x4b: {  	_ =	shalt  }
0x4c: {  	_ =	shalt  }
0x4d: {  	_ =	shalt  }
0x4e: {  	_ =	shalt  }
0x4f: {  	_ =	shalt  }
0x50: {  	_ =	shalt  }
0x51: {  	_ =	shalt  }
0x52: {  	_ =	shalt  }
0x53: {  	_ =	shalt  }
0x54: {  	_ =	shalt  }
0x55: {  	_ =	shalt  }
0x56: {  	_ =	shalt  }
0x57: {  	_ =	shalt  }
0x58: {  	_ =	shalt  }
0x59: {  	_ =	shalt  }
0x5a: {  	_ =	shalt  }
0x5b: {  	_ =	shalt  }
0x5c: {  	_ =	shalt  }
0x5d: {  	_ =	shalt  }
0x5e: {  	_ =	shalt  }
0x5f: {  	_ =	shalt  }
0x60: {  	_ =	shalt  }
0x61: {  	_ =	shalt  }
0x62: {  	_ =	shalt  }
0x63: {  	_ =	shalt  }
0x64: {  	_ =	shalt  }
0x65: {  	_ =	shalt  }
0x66: {  	_ =	shalt  }
0x67: {  	_ =	shalt  }
0x68: {  	_ =	shalt  }
0x69: {  	_ =	shalt  }
0x6a: {  	_ =	shalt  }
0x6b: {  	_ =	shalt  }
0x6c: {  	_ =	shalt  }
0x6d: {  	_ =	shalt  }
0x6e: {  	_ =	shalt  }
0x6f: {  	_ =	shalt  }
0x70: {  	_ =	shalt  }
0x71: {  	_ =	shalt  }
0x72: {  	_ =	shalt  }
0x73: {  	_ =	shalt  }
0x74: {  	_ =	shalt  }
0x75: {  	_ =	shalt  }
0x76: {  	_ =	shalt  }
0x77: {  	_ =	shalt  }
0x78: {  	_ =	shalt  }
0x79: {  	_ =	shalt  }
0x7a: {  	_ =	shalt  }
0x7b: {  	_ =	shalt  }
0x7c: {  	_ =	shalt  }
0x7d: {  	_ =	shalt  }
0x7e: {  	_ =	shalt  }
0x7f: {  	_ =	shalt  }
0x80: {  	_ =	shalt  }
0x81: {  	_ =	shalt  }
0x82: {  	_ =	shalt  }
0x83: {  	_ =	shalt  }
0x84: {  	_ =	shalt  }
0x85: {  	_ =	shalt  }
0x86: {  	_ =	shalt  }
0x87: {  	_ =	shalt  }
.Lfunc_end0:
.L_simem_size_0:
called_computation_lowered:
.L_overlay_start_0:
0x88: {  	s2 =	sld [smem:$0x3FD9]  }
0x89: {  	s3 =	sld [smem:$0x3FFE];
	_ =	sdelay $0x1  }
0x8a: {  	s1 =	srdreg.scid  }
0x8b: {  	s0 =	sand.u32 $0x1, s1  }
0x8c: {  	s16 =	sshll.u32 s0, $0xA;
	s2 =	sadd.s32 s3, s2  }
0x8d: {  	s2 =	sadd.s32 s2, s16  }
0x8e: {  	[smem:$0x3FC1] =	sst s2  }
0x8f: {  	_ = 	snop  }
0x90: {  	(tm) =	ssettm $0x1  }
0x91: {  	s17 =	sld [smem:$0x3FFB];
	_ =	sdelay $0x3  }
0x92: {  	_ =	strace s17  }
0x93: {  	s2 =	sld [smem:$0x3FFC];
	_ =	sdelay $0x3  }
0x94: {  	_ =	strace s2  }
0x95: {  	s2 =	sld [smem:$0x3FFD];
	_ =	sdelay $0x3  }
0x96: {  	_ =	strace s2  }
0x97: {  	_ =	strace $0x8FFFFFFF  }
0x98: {  	s18 =	sld [smem:$0x3FDB];
	_ =	sdelay $0x1  }
0x99: {  	s19 =	simm.s32 $_scs_section_size  }
0x9a: {  	s4 =	simm.s32 $_size__tile_overlayer_lowered;
	s5 =	simm.s32 $_tile_overlayer_lowered  }
0x9b: {  	s22 =	simm.s32 $0x1BFF;
	s21 =	sshll.u32 s5, $0x1;
	s2 =	sadd.s32 s19, s18  }
0x9c: {  	s6 =	simm.s32 $0x0;
	s20 =	sshll.u32 s4, $0x1;
	s4 =	sadd.s32 s21, s2  }
0x9d: {  	[timem:s6], [sflag:s22] =	dma.local [hbm:s4], s20  }
0x9e: {  	_ =	swait.ge [sflag:s22], s20  }
0x9f: {  	s3 =	ssub.s32 $0x0, s20;
	[sflag:s22] =	ssyncset.done $0x0  }
0xa0: {  	[sflag:s22] =	ssyncadd.s32 s3;
	_ =	sdelay $0x1  }
0xa1: {  	s23 =	simm.s32 $0x1B8B  }
0xa2: {  	_ =	swait.ge [sflag:s23], $0x1  }
0xa3: {  	[sflag:s23] =	ssyncset.done $0x0  }
0xa4: {  	s25 =	simm.s32 $0x1B8E;
	s24 =	sld [smem:$0x3FFE];
	[sflag:s23] =	ssyncadd.s32 $0xFFFFFFFF  }
0xa5: {  	s26 =	simm.s32 $execute0_lowered;
	[smem:$0x3FD2] =	sst s25  }
0xa6: {  	s4 =	sshll.u32 s26, $0x1;
	_ =	strace $0x80000046;
	[dreg:$0x1] =	wrdreg $0xFFFFFFFF  }
0xa7: {  	s28 =	simm.s32 $_size_execute0_lowered;
	s2 =	sadd.s32 s2, s4;
	[dreg:$0x0] =	wrdreg $0x0  }
0xa8: {  	s4 =	sshll.u32 s28, $0x1;
	[dreg:$0x2] =	wrdreg s2  }
0xa9: {  	[dreg:$0x3] =	wrdreg s4  }
0xaa: {  	[dreg:$0x4] =	wrdreg $0xC0  }
0xab: {  	_ =	task [dreg:s6], $0x5FFFF  }
0xac: {  	[dreg:$0x1] =	wrdreg $0xFFFFFFFF  }
0xad: {  	[dreg:$0x0] =	wrdreg $0x60  }
0xae: {  	[dreg:$0x2] =	wrdreg s24  }
0xaf: {  	[dreg:$0x3] =	wrdreg $0x0  }
0xb0: {  	[dreg:$0x4] =	wrdreg $0x9  }
0xb1: {  	_ =	task.clear_ibuf [dreg:s6], $0x5FFFF;
	_ =	strace $0x90000046  }
0xb2: {  	s29 =	simm.s32 $0x9;
	_ =	strace $0x80000048  }
0xb3: {  	_ =	swait.ge [sflag:s29], $0x1  }
0xb4: {  	[sflag:s29] =	ssyncadd.s32 $0xFFFFFFFF  }
0xb5: {  	_ =	strace $0x90000048  }
0xb6: {  	_ =	sfence  }
0xb7: {  	s30 =	sld [smem:$0x0];
	_ =	sdelay $0x2  }
0xb8: {  	s31 =	sshll.u32 s1, $0xD;
	s1 =	sshrl.u32 s1, $0x2  }
0xb9: {  	s3 =	sand.u32 $0x4000, s31;
	s1 =	sadd.s32 s1, s30  }
0xba: {  	s0 =	sor.u32 s3, s0;
	s1 =	sshll.u32 s1, $0x11  }
0xbb: {  	s0 =	sor.u32 s1, s0  }
0xbc: {  	s0 =	sadd.s32 $0x8F2B, s0  }
0xbd: {  	[sflag:s0] =	ssyncadd.remote.s32 $0x1  }
0xbe: {  	_ =	sfence.sel $0xFFFF  }
0xbf: {  	[dreg:$0x0] =	wrdreg $0xFFFFFFFF;
	(pc) =	sbr.abs _section_cstart, $3  }
0xc0: {  	[dreg:$0x1] =	wrdreg $0xFFFFFFFF  }
0xc1: {  	_ =	task.clear_ibuf [dreg:s6], $0x2FFFF;
	_ =	strace $0x9FFFFFFF  }
0xc2: {  	(tm) =	ssettm $0x7FFFFFFF  }
0xc3: {  	_ =	shalt  }
tec
execute0_lowered:
.L_overlay_start_1:
0x0: {  	(tag) =	ssettag $0x1  }
0x1: {  	s5 =	rddreg [dreg:$0x0]  }
0x2: {  	s3 =	rddreg [dreg:$0x1];
	s1 =	srdreg.scid  }
0x3: {  	s0 =	rddreg [dreg:$0x2];
	s2 =	simm.s32 $0x0;
	s4 =	sand.u32 $0x1, s1  }
0x4: {  	[smem:$0x7FF] =	sst s2;
	s1 =	stileid.u32;
	s6 =	ssub.s32 $0x2, s4  }
0x5: {  	_ =	strace $0x80000047;
	s8 =	smul.u32 $0x70000, s1;
	p0 =	seq.s32 s4, $0x1  }
0x6: {  	s30 =	smul.u32 $0xC380, s1;
	s31 =	sshll.u32 s1, $0x6;
	s7 =	sshrl.u32 s6, $0x1  }
0x7: {  	s6 =	ssub.s32 s6, s7;
	s7 =	simm.s32 $0x495800;
	s29 =	sshrl.u32 s8, $0x2  }
0x8: {  	s8 =	sor.u32 $0x1C01, s31;
	s7 =	simm.s32 @!p0 $0x2AE400;
	s3 =	sadd.s32 s29, s3  }
0x9: {  	s4 =	smax.u32 s6, $0x1;
	s6 =	simm.s32 $0x3800;
	s5 =	sadd.s32 s7, s5  }
0xa: {  	v0 =	vimm.f32 $0.0e+00;
	s7 =	simm.s32 $0x1;
	s9 =	sshrl.u32 s3, $0x3;
	s5 =	sadd.s32 s5, s30  }
.LBB2_1:
0xb: {  	[tilespmem:$0x3800] =	vst v0  }
0xc: {  	[tilespmem:$0x3880] =	vst v0  }
0xd: {  	[tilespmem:$0x3900] =	vst v0  }
0xe: {  	[tilespmem:$0x3980] =	vst v0  }
0xf: {  	[tilespmem:$0x3A00] =	vst v0  }
0x10: {  	[tilespmem:$0x3A80] =	vst v0  }
0x11: {  	[tilespmem:$0x3B00] =	vst v0  }
0x12: {  	[tilespmem:$0x3B80] =	vst v0;
	s10 =	sadd.s32 $0x0, s3  }
0x13: {  	[spmem:s10] =	stream.linear.scatter [tilespmem:s6], [sflag:$0x1], $0x400, $0x38;
	[tilespmem:$0x3C00] =	vst v63  }
0x14: {  	s10 =	simm.s32 $0x1000;
	_ =	swait.ge [sflag:s7], $0x400  }
.LBB2_2:
0x15: {  	s11 =	sshra.s32 s10, $0x2;
	[sflag:s7] =	ssyncset.done $0x0;
	p0 =	sne.s32 s10, $0x6F000  }
.Ltmp0:
0x16: {  	s11 =	sadd.s32 s11, s3;
	[sflag:s7] =	ssyncadd.s32 $0xFFFFFC00;
	(pc) =	sbr.rel @p0 .LBB2_2-.Ltmp0, $3  }
0x17: {  	[spmem:s11] =	stream.linear.scatter [tilespmem:s6], [sflag:$0x1], $0x400, $0x38;
	[tilespmem:$0x3C00] =	vst v63  }
0x18: {  	s10 =	sadd.s32 $0x1000, s10;
	_ =	sdelay $0x1  }
0x19: {  	_ =	swait.ge [sflag:s7], $0x400  }
0x1a: {  	[sflag:s7] =	ssyncset.done $0x0  }
0x1b: {  	s2 =	sadd.s32 $0x1, s2;
	[sflag:s7] =	ssyncadd.s32 $0xFFFFFC00  }
0x1c: {  	p0 =	sne.s32 s2, s4;
	[bflag:$0x0] =	sbarrier.arrive $0xFFFF  }
.Ltmp1:
0x1d: {  	[bflag:$0x0] =	sbarrier.arrive $0xFFFF;
	(pc) =	sbr.rel @p0 .LBB2_1-.Ltmp1, $4  }
0x1e: {  	[hbm:s5], [sflag:s8] =	dma.local [spmem:s9], $0x3800  }
0x1f: {  	_ =	swait.ge [sflag:s7], $0x3800  }
0x20: {  	[sflag:s7] =	ssyncset.done $0x0  }
0x21: {  	[sflag:s7] =	ssyncadd.s32 $0xFFFFC800  }
0x22: {  	_ =	sfence.sel $0x180000  }
0x23: {  	[bflag:$0x0] =	sbarrier.arrive $0xFFFF  }
0x24: {  	p0 =	sne.s32 s1, $0x0;
	_ =	strace $0x90000047  }
0x25: {  	s0 =	sadd.s32 @!p0 $0x100000, s0;
	[bflag:$0x2] =	sbarrier.arrive $0xFFFF  }
0x26: {  	[sflag:s0] =	ssyncadd.tile.s32 @!p0 $0x1;
	_ =	shalt  }
.Lfunc_end2:
_tile_overlayer_lowered:
.L_overlay_start_2:
0x27: {  	(tag) =	ssettag $0x2  }
0x28: {  	s0 =	rddreg [dreg:$0x0];
	s2 =	stileid.u32  }
0x29: {  	s1 =	rddreg [dreg:$0x1];
	p0 =	sne.s32 s2, $0x0  }
0x2a: {  	s3 =	rddreg [dreg:$0x2];
	[bflag:$0x3] =	sbarrier.arrive $0xFFFF;
	s2 =	simm.s32 @!p0 $0x1C01  }
0x2b: {  	[timem:s3], [sflag:s2] =	dma.local @!p0 [hbm:s0], s1  }
0x2c: {  	s0 =	simm.s32 @!p0 $0x1  }
0x2d: {  	_ =	swait.ge @!p0 [sflag:s0], s1  }
0x2e: {  	s1 =	ssub.s32 @!p0 $0x0, s1;
	[sflag:s0] =	ssyncset.done @!p0 $0x0  }
0x2f: {  	[sflag:s0] =	ssyncadd.s32 @!p0 s1  }
0x30: {  	[bflag:$0x3] =	sbarrier.arrive $0xFFFF  }
0x31: {  	_ =	shalt  }

</sc_bundles>
